<compile_context>
chip_gen: v7x
topology: tpu7x:2x2x1
jax: 0.10.2.dev20260603
libtpu: 0.0.44.dev20260713+nightly
codegen_flags: <defaults>
</compile_context>

<pallas_src>
import jax
import jax.numpy as jnp
from jax import lax
from jax.experimental import pallas as pl
from jax.experimental.pallas import tpu as pltpu
from jax.experimental.pallas import tpu_sc as plsc

N_Y = 100000
N_X = 32768
E = 1600000
C = 32
NUM_FREQ = 32
MAX_POS = 10000.0
D_EMB = 3 * NUM_FREQ * 2

NC, NS = 2, 16
NW = NC * NS
GK = 128
GG = 96
SUP = 2 * GG
CH2 = 131
EPW = 2 * SUP * CH2
E_PAD = NW * EPW
CH = EPW // GK
ACC_R = 34816

_mesh = plsc.VectorSubcoreMesh(
    core_axis_name="c", subcore_axis_name="s", num_cores=NC, num_subcores=NS)
_sc_params = pltpu.CompilerParams(use_tc_tiling_on_sc=False,
                                  needs_layout_passes=False)


def _pack_bf16_pair(a, b):
    wa = lax.bitcast_convert_type(a.astype(jnp.bfloat16).astype(jnp.float32),
                                  jnp.uint32)
    wb = lax.bitcast_convert_type(b.astype(jnp.bfloat16).astype(jnp.float32),
                                  jnp.uint32)
    return lax.bitcast_convert_type(wa | (wb >> 16), jnp.float32)


def _unpack_bf16_pair(w):
    u = lax.bitcast_convert_type(w, jnp.uint32)
    a = lax.bitcast_convert_type(u & jnp.uint32(0xFFFF0000), jnp.float32)
    b = lax.bitcast_convert_type(u << 16, jnp.float32)
    return a, b



def _node_y_body(c_ref, fy_ref, s_ref, ph_ref, w_ref, b_ref, o_ref):
    ang = jnp.dot(c_ref[...], s_ref[...], preferred_element_type=jnp.float32)
    emb = jnp.sin(ang + ph_ref[...])
    h = (jnp.dot(emb, w_ref[...], preferred_element_type=jnp.float32)
         + b_ref[...])
    o_ref[:, 0:64] = _pack_bf16_pair(h[:, :64], h[:, 64:])
    o_ref[:, 64:96] = fy_ref[...]
    o_ref[:, 96:128] = jnp.zeros_like(fy_ref[...])


def _node_x_body(c_ref, s_ref, ph_ref, w_ref, o_ref):
    ang = jnp.dot(c_ref[...], s_ref[...], preferred_element_type=jnp.float32)
    emb = jnp.sin(ang + ph_ref[...])
    o_ref[...] = jnp.dot(emb, w_ref[...], preferred_element_type=jnp.float32)



def _gather_body(yhf_hbm, xh_hbm, nidx_hbm, qidx_hbm, ga_hbm,
                 nva, qva, yba, xba, nvb, qvb, ybb, xbb,
                 semga, semgb, semwa, semwb):
    c = lax.axis_index("c")
    s = lax.axis_index("s")
    base = (s * NC + c) * EPW

    def fire_gathers(nv, qv, yb, xb, sem):
        cps = []
        for k in range(SUP // GG):
            sl = pl.ds(k * GG, GG)
            cps.append(pltpu.async_copy(yhf_hbm.at[nv.at[sl]], yb.at[sl], sem))
            cps.append(pltpu.async_copy(xh_hbm.at[qv.at[sl]], xb.at[sl], sem))
        return cps

    def drain_wb(yb, sem):
        pltpu.make_async_copy(yb, ga_hbm.at[pl.ds(0, SUP)], sem).wait()

    def fuse_add(yb, xb):
        def edge(r, carry):
            for w in range(4):
                yw = lax.bitcast_convert_type(yb[r, pl.ds(w * 16, 16)],
                                              jnp.uint32)
                hi = lax.bitcast_convert_type(yw & jnp.uint32(0xFFFF0000),
                                              jnp.float32)
                lo = lax.bitcast_convert_type(yw << 16, jnp.float32)
                s1 = hi + xb[r, pl.ds(w * 16, 16)]
                s2 = lo + xb[r, pl.ds(64 + w * 16, 16)]
                packed = plsc.pack(s2, s1, format=plsc.PackFormat.INTERLEAVED)
                yb[r, pl.ds(w * 16, 16)] = plsc.bitcast(packed, jnp.float32)
            return carry
        lax.fori_loop(0, SUP, edge, 0)

    def body(j, carry):
        sta = pl.multiple_of(base + (2 * j) * SUP, 8)
        stb = pl.multiple_of(base + (2 * j + 1) * SUP, 8)
        pltpu.sync_copy(nidx_hbm.at[pl.ds(sta, SUP)], nva)
        pltpu.sync_copy(qidx_hbm.at[pl.ds(sta, SUP)], qva)
        pltpu.sync_copy(nidx_hbm.at[pl.ds(stb, SUP)], nvb)
        pltpu.sync_copy(qidx_hbm.at[pl.ds(stb, SUP)], qvb)

        @pl.when(j > 0)
        def _():
            drain_wb(yba, semwa)
        ga = fire_gathers(nva, qva, yba, xba, semga)

        @pl.when(j > 0)
        def _():
            drain_wb(ybb, semwb)
        gb = fire_gathers(nvb, qvb, ybb, xbb, semgb)

        for cp in ga:
            cp.wait()
        fuse_add(yba, xba)
        pltpu.async_copy(yba, ga_hbm.at[pl.ds(sta, SUP)], semwa)
        for cp in gb:
            cp.wait()
        fuse_add(ybb, xbb)
        pltpu.async_copy(ybb, ga_hbm.at[pl.ds(stb, SUP)], semwb)
        return carry

    lax.fori_loop(0, CH2, body, 0)
    drain_wb(yba, semwa)
    drain_wb(ybb, semwb)



def _gelu_bf16(x):
    xb = x.astype(jnp.bfloat16)
    c1 = jnp.bfloat16(0.7978845608028654)
    c2 = jnp.bfloat16(0.7978845608028654 * 0.044715)
    half = jnp.bfloat16(0.5)
    one = jnp.bfloat16(1.0)
    u = xb * xb
    t = jnp.tanh(xb * (c1 + c2 * u))
    return (half * xb) * (one + t)


def _mlp_body(gyf_ref, w2_ref, b2_ref, w3_ref, b3_ref,
              w4_ref, b4_ref, o_ref):
    ya, yb = _unpack_bf16_pair(gyf_ref[:, 0:64])
    h1a = _gelu_bf16(ya)
    h1b = _gelu_bf16(yb)
    t2 = (jnp.dot(h1a, w2_ref[0:64, :].astype(jnp.bfloat16),
                  preferred_element_type=jnp.float32)
          + jnp.dot(h1b, w2_ref[64:128, :].astype(jnp.bfloat16),
                    preferred_element_type=jnp.float32)
          + b2_ref[...])
    h2 = _gelu_bf16(t2)
    h3 = _gelu_bf16(
        jnp.dot(h2, w3_ref[...].astype(jnp.bfloat16),
                preferred_element_type=jnp.float32)
        + b3_ref[...])
    k = (jnp.dot(h3, w4_ref[...].astype(jnp.bfloat16),
                 preferred_element_type=jnp.float32)
         + b4_ref[...])
    o_ref[...] = k * gyf_ref[:, 64:96]



def _scatter_body(msgl_hbm, qidx_hbm, out_hbm, qv, mb, zb, t128, acc, sem):
    c = lax.axis_index("c")
    s = lax.axis_index("s")
    base = (s * NC + c) * EPW
    zero16 = jnp.zeros((16,), jnp.float32)

    def zb_row(r, carry):
        zb[r, 0:16] = zero16
        zb[r, 16:32] = zero16
        return carry
    lax.fori_loop(0, 128, zb_row, 0)
    zrows = ACC_R // NS
    def zcp(i, carry):
        pltpu.sync_copy(zb, acc.at[pl.ds(s * zrows + i * 128, 128)])
        return carry
    lax.fori_loop(0, zrows // 128, zcp, 0)
    plsc.subcore_barrier()

    def body(i, carry):
        st = pl.multiple_of(base + i * GK, 8)
        pltpu.sync_copy(qidx_hbm.at[pl.ds(st, GK)], qv)
        pltpu.sync_copy(msgl_hbm.at[pl.ds(st, GK)], mb)
        pltpu.sync_copy(mb, acc.at[qv], add=True)
        return carry

    lax.fori_loop(0, CH, body, 0)
    plsc.subcore_barrier()

    orows = N_X // NS
    def dump(i, carry):
        r0 = s * orows + i * 128
        pltpu.sync_copy(acc.at[pl.ds(r0, 128)], mb)
        def expand(r, carry2):
            t128[r, 0:16] = mb[r, 0:16]
            t128[r, 16:32] = mb[r, 16:32]
            return carry2
        lax.fori_loop(0, 128, expand, 0)
        pltpu.sync_copy(t128, out_hbm.at[c].at[pl.ds(r0, 128)])
        return carry
    lax.fori_loop(0, orows // 128, dump, 0)



def _combine_body(p_ref, o_ref):
    o_ref[...] = p_ref[0, :, :C] + p_ref[1, :, :C]


def kernel(y, x, f_y, neighbors_index, query_index,
           W1, b1, W2, b2, W3, b3, W4, b4):
    f32 = jnp.float32

    k = jnp.arange(NUM_FREQ, dtype=f32)
    freqs = 1.0 / (MAX_POS ** (k / NUM_FREQ))
    eye3 = jnp.eye(3, dtype=f32)
    ff = jnp.concatenate([freqs, freqs])
    S = (eye3[:, :, None] * ff[None, None, :]).reshape(3, D_EMB)
    S = jnp.concatenate([S, jnp.zeros((5, D_EMB), f32)], axis=0)
    ph_row = jnp.concatenate([jnp.zeros((NUM_FREQ,), f32),
                              jnp.full((NUM_FREQ,), jnp.pi / 2, f32)])
    ph = jnp.tile(ph_row, 3)[None, :]

    y8 = jnp.concatenate([y, jnp.zeros((N_Y, 5), f32)], axis=1)
    x8 = jnp.concatenate([x, jnp.zeros((N_X, 5), f32)], axis=1)

    RBY = 400
    YHF = pl.pallas_call(
        _node_y_body,
        grid=(N_Y // RBY,),
        in_specs=[
            pl.BlockSpec((RBY, 8), lambda i: (i, 0)),
            pl.BlockSpec((RBY, C), lambda i: (i, 0)),
            pl.BlockSpec((8, D_EMB), lambda i: (0, 0)),
            pl.BlockSpec((1, D_EMB), lambda i: (0, 0)),
            pl.BlockSpec((D_EMB, 128), lambda i: (0, 0)),
            pl.BlockSpec((1, 128), lambda i: (0, 0)),
        ],
        out_specs=pl.BlockSpec((RBY, 128), lambda i: (i, 0)),
        out_shape=jax.ShapeDtypeStruct((N_Y, 128), f32),
    )(y8, f_y, S, ph, W1[D_EMB:], b1[None, :])

    RBX = 512
    XH = pl.pallas_call(
        _node_x_body,
        grid=(N_X // RBX,),
        in_specs=[
            pl.BlockSpec((RBX, 8), lambda i: (i, 0)),
            pl.BlockSpec((8, D_EMB), lambda i: (0, 0)),
            pl.BlockSpec((1, D_EMB), lambda i: (0, 0)),
            pl.BlockSpec((D_EMB, 128), lambda i: (0, 0)),
        ],
        out_specs=pl.BlockSpec((RBX, 128), lambda i: (i, 0)),
        out_shape=jax.ShapeDtypeStruct((N_X, 128), f32),
    )(x8, S, ph, W1[:D_EMB])

    npad = jnp.concatenate([neighbors_index.astype(jnp.int32),
                            jnp.zeros((E_PAD - E,), jnp.int32)])
    qpad = jnp.concatenate([query_index.astype(jnp.int32),
                            jnp.full((E_PAD - E,), N_X, jnp.int32)])
    XHp = jnp.concatenate([XH, jnp.zeros((8, 128), f32)], axis=0)

    gather = pl.kernel(
        _gather_body,
        out_type=jax.ShapeDtypeStruct((E_PAD, 128), f32),
        mesh=_mesh,
        compiler_params=_sc_params,
        scratch_types=[
            pltpu.VMEM((SUP,), jnp.int32),
            pltpu.VMEM((SUP,), jnp.int32),
            pltpu.VMEM((SUP, 128), f32),
            pltpu.VMEM((SUP, 128), f32),
            pltpu.VMEM((SUP,), jnp.int32),
            pltpu.VMEM((SUP,), jnp.int32),
            pltpu.VMEM((SUP, 128), f32),
            pltpu.VMEM((SUP, 128), f32),
            pltpu.SemaphoreType.DMA,
            pltpu.SemaphoreType.DMA,
            pltpu.SemaphoreType.DMA,
            pltpu.SemaphoreType.DMA,
        ],
    )
    GA = gather(YHF, XHp, npad, qpad)

    BE = 2048
    MSG = pl.pallas_call(
        _mlp_body,
        grid=(E_PAD // BE,),
        in_specs=[
            pl.BlockSpec((BE, 128), lambda i: (i, 0)),
            pl.BlockSpec((128, 256), lambda i: (0, 0)),
            pl.BlockSpec((1, 256), lambda i: (0, 0)),
            pl.BlockSpec((256, 128), lambda i: (0, 0)),
            pl.BlockSpec((1, 128), lambda i: (0, 0)),
            pl.BlockSpec((128, C), lambda i: (0, 0)),
            pl.BlockSpec((1, C), lambda i: (0, 0)),
        ],
        out_specs=pl.BlockSpec((BE, C), lambda i: (i, 0)),
        out_shape=jax.ShapeDtypeStruct((E_PAD, C), f32),
    )(GA, W2, b2[None, :], W3, b3[None, :], W4, b4[None, :])

    scatter = pl.kernel(
        _scatter_body,
        out_type=jax.ShapeDtypeStruct((NC, N_X, 128), f32),
        mesh=_mesh,
        compiler_params=_sc_params,
        scratch_types=[
            pltpu.VMEM((GK,), jnp.int32),
            pltpu.VMEM((GK, C), f32),
            pltpu.VMEM((128, C), f32),
            pltpu.VMEM((128, 128), f32),
            pltpu.VMEM_SHARED((ACC_R, C), f32),
            pltpu.SemaphoreType.DMA,
        ],
    )
    parts = scatter(MSG, qpad)

    RBO = 512
    out = pl.pallas_call(
        _combine_body,
        grid=(N_X // RBO,),
        in_specs=[pl.BlockSpec((NC, RBO, 128), lambda i: (0, i, 0))],
        out_specs=pl.BlockSpec((RBO, C), lambda i: (i, 0)),
        out_shape=jax.ShapeDtypeStruct((N_X, C), f32),
    )(parts)
    return out

# --- scband reference (transcript-rebuilt; emitter-appended) ---
"""Pipeline reference for scband-gnomodel-37838661877948 (READ-ONLY COPY).

The authoritative reference and input builder live on the scoring server;
editing this copy changes nothing except your own understanding.
"""

import jax, jax.numpy as jnp
import numpy as np

N_Y = 100000
N_X = 32768
E = 1600000
C = 32
NUM_FREQ = 32
MAX_POS = 10000.0
D_EMB = 3 * NUM_FREQ * 2  # 192, transformer sinusoidal embedding of 3D coords
KERNEL_IN = 2 * D_EMB     # 384 = dim(x_embed) + dim(y_embed), transform_type='linear'


def sinusoidal_embed(coords):
    # neuralop SinusoidalEmbedding, embedding_type='transformer'
    k = jnp.arange(NUM_FREQ, dtype=jnp.float32)
    freqs = 1.0 / (MAX_POS ** (k / NUM_FREQ))            # [F]
    ang = coords[:, :, None] * freqs[None, None, :]      # [N, 3, F]
    emb = jnp.concatenate([jnp.sin(ang), jnp.cos(ang)], axis=-1)  # [N, 3, 2F]
    return emb.reshape(coords.shape[0], -1)              # [N, 192]


def setup_inputs(seed: int = 0):
    key = jax.random.key(seed)
    ks = jax.random.split(key, 14)
    y = jax.random.uniform(ks[0], (N_Y, 3), dtype=jnp.float32)
    x = jax.random.uniform(ks[1], (N_X, 3), dtype=jnp.float32)
    f_y = jax.random.normal(ks[2], (N_Y, C), dtype=jnp.float32)
    neighbors_index = jax.random.randint(ks[3], (E,), 0, N_Y)
    query_index = jnp.sort(jax.random.randint(ks[4], (E,), 0, N_X))
    # LinearChannelMLP layers: [384, 128, 256, 128, 32] with GELU
    W1 = 0.02 * jax.random.normal(ks[5], (KERNEL_IN, 128), dtype=jnp.float32)
    b1 = jnp.zeros((128,), dtype=jnp.float32)
    W2 = 0.02 * jax.random.normal(ks[6], (128, 256), dtype=jnp.float32)
    b2 = jnp.zeros((256,), dtype=jnp.float32)
    W3 = 0.02 * jax.random.normal(ks[7], (256, 128), dtype=jnp.float32)
    b3 = jnp.zeros((128,), dtype=jnp.float32)
    W4 = 0.02 * jax.random.normal(ks[8], (128, C), dtype=jnp.float32)
    b4 = jnp.zeros((C,), dtype=jnp.float32)
    return {"y": y, "x": x, "f_y": f_y,
            "neighbors_index": neighbors_index, "query_index": query_index,
            "W1": W1, "b1": b1, "W2": W2, "b2": b2,
            "W3": W3, "b3": b3, "W4": W4, "b4": b4}


def reference(y, x, f_y, neighbors_index, query_index,
              W1, b1, W2, b2, W3, b3, W4, b4):
    # ModifiedGNOBlock forward (gno_in): pos-embed coords, then IntegralTransform
    y_embed = sinusoidal_embed(y)                          # [N_Y, 192]
    x_embed = sinusoidal_embed(x)                          # [N_X, 192]
    # gather per-(query,neighbor) pair features
    rep_feat = jnp.take(y_embed, neighbors_index, axis=0)  # [E, 192]
    self_feat = jnp.take(x_embed, query_index, axis=0)     # [E, 192]
    agg = jnp.concatenate([self_feat, rep_feat], axis=-1)  # [E, 384]
    # kernel channel MLP
    h = jax.nn.gelu(agg @ W1 + b1)
    h = jax.nn.gelu(h @ W2 + b2)
    h = jax.nn.gelu(h @ W3 + b3)
    kernel = h @ W4 + b4                                   # [E, C]
    # transform_type='linear': kernel output multiplied by gathered f_y
    msg = kernel * jnp.take(f_y, neighbors_index, axis=0)  # [E, C]
    # reduction='sum' over each query's neighborhood (row_splits -> segment ids)
    out = jax.ops.segment_sum(msg, query_index, num_segments=N_X)  # [N_X, C]
    return out

if __name__ == "__main__":
    import jax
    _d = setup_inputs()
    print(jax.jit(kernel)(*tuple(_d.values())))

</pallas_src>

<mosaic_0001>
#map = affine_map<(d0, d1) -> (0, 0)>
#map1 = affine_map<(d0, d1) -> (0)>
module attributes {stable_mosaic.version = 14 : i64} {
  func.func @_gather_body(%arg0: i32, %arg1: i32, %arg2: memref<100000x128xf32, #tpu.memory_space<hbm>>, %arg3: memref<32776x128xf32, #tpu.memory_space<hbm>>, %arg4: memref<1609728xi32, #tpu.memory_space<hbm>>, %arg5: memref<1609728xi32, #tpu.memory_space<hbm>>, %arg6: memref<1609728x128xf32, #tpu.memory_space<hbm>>, %arg7: memref<192xi32, #tpu.memory_space<vmem>>, %arg8: memref<192xi32, #tpu.memory_space<vmem>>, %arg9: memref<192x128xf32, #tpu.memory_space<vmem>>, %arg10: memref<192x128xf32, #tpu.memory_space<vmem>>, %arg11: memref<192xi32, #tpu.memory_space<vmem>>, %arg12: memref<192xi32, #tpu.memory_space<vmem>>, %arg13: memref<192x128xf32, #tpu.memory_space<vmem>>, %arg14: memref<192x128xf32, #tpu.memory_space<vmem>>, %arg15: memref<!tpu.dma_semaphore, #tpu.memory_space<semaphore_mem>>, %arg16: memref<!tpu.dma_semaphore, #tpu.memory_space<semaphore_mem>>, %arg17: memref<!tpu.dma_semaphore, #tpu.memory_space<semaphore_mem>>, %arg18: memref<!tpu.dma_semaphore, #tpu.memory_space<semaphore_mem>>) attributes {dimension_semantics = [#tpu.dimension_semantics<core_parallel>, #tpu.dimension_semantics<subcore_parallel>], iteration_bounds = array<i64: 2, 16>, scalar_prefetch = 0 : i64, scratch_operands = 12 : i64, tpu.core_type = #tpu.core_type<sc_vector_subcore>, window_params = [{transform_indices = #map}, {transform_indices = #map}, {transform_indices = #map1}, {transform_indices = #map1}, {transform_indices = #map}]} {
    %mul3A = arith.constant 2 : i32
    %mul3A_0 = arith.muli %arg1, %mul3A : i32
    %add3A = arith.addi %mul3A_0, %arg0 : i32
    %mul3A_1 = arith.constant 50304 : i32
    %mul3A_2 = arith.muli %add3A, %mul3A_1 : i32
    %scan3A = arith.constant 0 : i32
    %scan3A_3 = arith.constant 0 : i32
    %scan3A_4 = arith.constant 131 : i32
    %scan3A_5 = arith.addi %scan3A_3, %scan3A_4 : i32
    %scan3A_6 = arith.constant 1 : i32
    scf.for %scan3A_19 = %scan3A_3 to %scan3A_5 step %scan3A_6  : i32 {
      %mul3A_20 = arith.constant 2 : i32
      %mul3A_21 = arith.muli %mul3A_20, %scan3A_19 : i32
      %mul3A_22 = arith.constant 192 : i32
      %mul3A_23 = arith.muli %mul3A_21, %mul3A_22 : i32
      %add3A_24 = arith.addi %mul3A_2, %mul3A_23 : i32
      %multiple_of3A = tpu.assume_multiple %add3A_24, 8 : i32
      %mul3A_25 = arith.constant 2 : i32
      %mul3A_26 = arith.muli %mul3A_25, %scan3A_19 : i32
      %add3A_27 = arith.constant 1 : i32
      %add3A_28 = arith.addi %mul3A_26, %add3A_27 : i32
      %mul3A_29 = arith.constant 192 : i32
      %mul3A_30 = arith.muli %add3A_28, %mul3A_29 : i32
      %add3A_31 = arith.addi %mul3A_2, %mul3A_30 : i32
      %multiple_of3A_32 = tpu.assume_multiple %add3A_31, 8 : i32
      "tpu.region"() ({
        %run_scoped3A = tpu.sem_alloc : memref<!tpu.dma_semaphore, #tpu.memory_space<semaphore_mem>>
        %dma_start3A_187 = tpu.memref_slice %arg4[%multiple_of3A] : memref<1609728xi32, #tpu.memory_space<hbm>> -> memref<192xi32, #tpu.memory_space<hbm>>
        %dma_start3A_188 = tpu.memref_slice %arg4[%multiple_of3A] : memref<1609728xi32, #tpu.memory_space<hbm>> -> memref<192xi32, #tpu.memory_space<hbm>>
        tpu.enqueue_dma source(%dma_start3A_188 : memref<192xi32, #tpu.memory_space<hbm>>) target(%arg7 : memref<192xi32, #tpu.memory_space<vmem>>) target_semaphore(%run_scoped3A : memref<!tpu.dma_semaphore, #tpu.memory_space<semaphore_mem>>)
        %dma_wait3A_189 = tpu.memref_slice %arg4[%multiple_of3A] : memref<1609728xi32, #tpu.memory_space<hbm>> -> memref<192xi32, #tpu.memory_space<hbm>>
        %dma_wait3A_190 = tpu.memref_slice %arg4[%multiple_of3A] : memref<1609728xi32, #tpu.memory_space<hbm>> -> memref<192xi32, #tpu.memory_space<hbm>>
        tpu.wait_dma2 semaphore(%run_scoped3A : memref<!tpu.dma_semaphore, #tpu.memory_space<semaphore_mem>>) src(%dma_wait3A_190 : memref<192xi32, #tpu.memory_space<hbm>>) dst(%arg7 : memref<192xi32, #tpu.memory_space<vmem>>)
        tpu.yield
      }) : () -> ()
      "tpu.region"() ({
        %run_scoped3A = tpu.sem_alloc : memref<!tpu.dma_semaphore, #tpu.memory_space<semaphore_mem>>
        %dma_start3A_187 = tpu.memref_slice %arg5[%multiple_of3A] : memref<1609728xi32, #tpu.memory_space<hbm>> -> memref<192xi32, #tpu.memory_space<hbm>>
        %dma_start3A_188 = tpu.memref_slice %arg5[%multiple_of3A] : memref<1609728xi32, #tpu.memory_space<hbm>> -> memref<192xi32, #tpu.memory_space<hbm>>
        tpu.enqueue_dma source(%dma_start3A_188 : memref<192xi32, #tpu.memory_space<hbm>>) target(%arg8 : memref<192xi32, #tpu.memory_space<vmem>>) target_semaphore(%run_scoped3A : memref<!tpu.dma_semaphore, #tpu.memory_space<semaphore_mem>>)
        %dma_wait3A_189 = tpu.memref_slice %arg5[%multiple_of3A] : memref<1609728xi32, #tpu.memory_space<hbm>> -> memref<192xi32, #tpu.memory_space<hbm>>
        %dma_wait3A_190 = tpu.memref_slice %arg5[%multiple_of3A] : memref<1609728xi32, #tpu.memory_space<hbm>> -> memref<192xi32, #tpu.memory_space<hbm>>
        tpu.wait_dma2 semaphore(%run_scoped3A : memref<!tpu.dma_semaphore, #tpu.memory_space<semaphore_mem>>) src(%dma_wait3A_190 : memref<192xi32, #tpu.memory_space<hbm>>) dst(%arg8 : memref<192xi32, #tpu.memory_space<vmem>>)
        tpu.yield
      }) : () -> ()
      "tpu.region"() ({
        %run_scoped3A = tpu.sem_alloc : memref<!tpu.dma_semaphore, #tpu.memory_space<semaphore_mem>>
        %dma_start3A_187 = tpu.memref_slice %arg4[%multiple_of3A_32] : memref<1609728xi32, #tpu.memory_space<hbm>> -> memref<192xi32, #tpu.memory_space<hbm>>
        %dma_start3A_188 = tpu.memref_slice %arg4[%multiple_of3A_32] : memref<1609728xi32, #tpu.memory_space<hbm>> -> memref<192xi32, #tpu.memory_space<hbm>>
        tpu.enqueue_dma source(%dma_start3A_188 : memref<192xi32, #tpu.memory_space<hbm>>) target(%arg11 : memref<192xi32, #tpu.memory_space<vmem>>) target_semaphore(%run_scoped3A : memref<!tpu.dma_semaphore, #tpu.memory_space<semaphore_mem>>)
        %dma_wait3A_189 = tpu.memref_slice %arg4[%multiple_of3A_32] : memref<1609728xi32, #tpu.memory_space<hbm>> -> memref<192xi32, #tpu.memory_space<hbm>>
        %dma_wait3A_190 = tpu.memref_slice %arg4[%multiple_of3A_32] : memref<1609728xi32, #tpu.memory_space<hbm>> -> memref<192xi32, #tpu.memory_space<hbm>>
        tpu.wait_dma2 semaphore(%run_scoped3A : memref<!tpu.dma_semaphore, #tpu.memory_space<semaphore_mem>>) src(%dma_wait3A_190 : memref<192xi32, #tpu.memory_space<hbm>>) dst(%arg11 : memref<192xi32, #tpu.memory_space<vmem>>)
        tpu.yield
      }) : () -> ()
      "tpu.region"() ({
        %run_scoped3A = tpu.sem_alloc : memref<!tpu.dma_semaphore, #tpu.memory_space<semaphore_mem>>
        %dma_start3A_187 = tpu.memref_slice %arg5[%multiple_of3A_32] : memref<1609728xi32, #tpu.memory_space<hbm>> -> memref<192xi32, #tpu.memory_space<hbm>>
        %dma_start3A_188 = tpu.memref_slice %arg5[%multiple_of3A_32] : memref<1609728xi32, #tpu.memory_space<hbm>> -> memref<192xi32, #tpu.memory_space<hbm>>
        tpu.enqueue_dma source(%dma_start3A_188 : memref<192xi32, #tpu.memory_space<hbm>>) target(%arg12 : memref<192xi32, #tpu.memory_space<vmem>>) target_semaphore(%run_scoped3A : memref<!tpu.dma_semaphore, #tpu.memory_space<semaphore_mem>>)
        %dma_wait3A_189 = tpu.memref_slice %arg5[%multiple_of3A_32] : memref<1609728xi32, #tpu.memory_space<hbm>> -> memref<192xi32, #tpu.memory_space<hbm>>
        %dma_wait3A_190 = tpu.memref_slice %arg5[%multiple_of3A_32] : memref<1609728xi32, #tpu.memory_space<hbm>> -> memref<192xi32, #tpu.memory_space<hbm>>
        tpu.wait_dma2 semaphore(%run_scoped3A : memref<!tpu.dma_semaphore, #tpu.memory_space<semaphore_mem>>) src(%dma_wait3A_190 : memref<192xi32, #tpu.memory_space<hbm>>) dst(%arg12 : memref<192xi32, #tpu.memory_space<vmem>>)
        tpu.yield
      }) : () -> ()
      %gt3A = arith.constant 0 : i32
      %gt3A_33 = arith.cmpi sgt, %scan3A_19, %gt3A : i32
      %convert_element_type3A = arith.extui %gt3A_33 : i1 to i32
      %cond3A = arith.constant 0 : i32
      %cond3A_34 = arith.cmpi ne, %convert_element_type3A, %cond3A : i32
      scf.if %cond3A_34 {
        %dma_wait3A_187 = arith.constant 0 : i32
        %dma_wait3A_188 = arith.constant 0 : i32
        %dma_wait3A_189 = tpu.memref_slice %arg6[%dma_wait3A_187, %dma_wait3A_188] : memref<1609728x128xf32, #tpu.memory_space<hbm>> -> memref<192x128xf32, #tpu.memory_space<hbm>>
        %dma_wait3A_190 = arith.constant 0 : i32
        %dma_wait3A_191 = arith.constant 0 : i32
        %dma_wait3A_192 = tpu.memref_slice %arg6[%dma_wait3A_190, %dma_wait3A_191] : memref<1609728x128xf32, #tpu.memory_space<hbm>> -> memref<192x128xf32, #tpu.memory_space<hbm>>
        tpu.wait_dma2 semaphore(%arg17 : memref<!tpu.dma_semaphore, #tpu.memory_space<semaphore_mem>>) src(%arg9 : memref<192x128xf32, #tpu.memory_space<vmem>>) dst(%dma_wait3A_192 : memref<192x128xf32, #tpu.memory_space<hbm>>)
      } else {
      }
      %dma_start3A = arith.constant 0 : i32
      %dma_start3A_35 = arith.constant 0 : i32
      %dma_start3A_36 = tpu.memref_slice %arg9[%dma_start3A, %dma_start3A_35] : memref<192x128xf32, #tpu.memory_space<vmem>> -> memref<96x128xf32, #tpu.memory_space<vmem>>
      %dma_start3A_37 = arith.constant 0 : i32
      %dma_start3A_38 = tpu.memref_slice %arg7[%dma_start3A_37] : memref<192xi32, #tpu.memory_space<vmem>> -> memref<96xi32, #tpu.memory_space<vmem>>
      %dma_start3A_39 = arith.constant 0 : i32
      %dma_start3A_40 = arith.constant 0 : i32
      %dma_start3A_41 = tpu.memref_slice %arg2[%dma_start3A_39, %dma_start3A_40] : memref<100000x128xf32, #tpu.memory_space<hbm>> -> memref<100000x128xf32, #tpu.memory_space<hbm>>
      tpu.enqueue_indirect_dma source(%dma_start3A_41 : memref<100000x128xf32, #tpu.memory_space<hbm>>) target(%dma_start3A_36 : memref<96x128xf32, #tpu.memory_space<vmem>>) offsets(%dma_start3A_38 : memref<96xi32, #tpu.memory_space<vmem>>) semaphore(%arg15 : memref<!tpu.dma_semaphore, #tpu.memory_space<semaphore_mem>>)
      %dma_start3A_42 = arith.constant 0 : i32
      %dma_start3A_43 = arith.constant 0 : i32
      %dma_start3A_44 = tpu.memref_slice %arg10[%dma_start3A_42, %dma_start3A_43] : memref<192x128xf32, #tpu.memory_space<vmem>> -> memref<96x128xf32, #tpu.memory_space<vmem>>
      %dma_start3A_45 = arith.constant 0 : i32
      %dma_start3A_46 = tpu.memref_slice %arg8[%dma_start3A_45] : memref<192xi32, #tpu.memory_space<vmem>> -> memref<96xi32, #tpu.memory_space<vmem>>
      %dma_start3A_47 = arith.constant 0 : i32
      %dma_start3A_48 = arith.constant 0 : i32
      %dma_start3A_49 = tpu.memref_slice %arg3[%dma_start3A_47, %dma_start3A_48] : memref<32776x128xf32, #tpu.memory_space<hbm>> -> memref<32776x128xf32, #tpu.memory_space<hbm>>
      tpu.enqueue_indirect_dma source(%dma_start3A_49 : memref<32776x128xf32, #tpu.memory_space<hbm>>) target(%dma_start3A_44 : memref<96x128xf32, #tpu.memory_space<vmem>>) offsets(%dma_start3A_46 : memref<96xi32, #tpu.memory_space<vmem>>) semaphore(%arg15 : memref<!tpu.dma_semaphore, #tpu.memory_space<semaphore_mem>>)
      %dma_start3A_50 = arith.constant 96 : i32
      %dma_start3A_51 = arith.constant 0 : i32
      %dma_start3A_52 = tpu.memref_slice %arg9[%dma_start3A_50, %dma_start3A_51] : memref<192x128xf32, #tpu.memory_space<vmem>> -> memref<96x128xf32, #tpu.memory_space<vmem>>
      %dma_start3A_53 = arith.constant 96 : i32
      %dma_start3A_54 = tpu.memref_slice %arg7[%dma_start3A_53] : memref<192xi32, #tpu.memory_space<vmem>> -> memref<96xi32, #tpu.memory_space<vmem>>
      %dma_start3A_55 = arith.constant 0 : i32
      %dma_start3A_56 = arith.constant 0 : i32
      %dma_start3A_57 = tpu.memref_slice %arg2[%dma_start3A_55, %dma_start3A_56] : memref<100000x128xf32, #tpu.memory_space<hbm>> -> memref<100000x128xf32, #tpu.memory_space<hbm>>
      tpu.enqueue_indirect_dma source(%dma_start3A_57 : memref<100000x128xf32, #tpu.memory_space<hbm>>) target(%dma_start3A_52 : memref<96x128xf32, #tpu.memory_space<vmem>>) offsets(%dma_start3A_54 : memref<96xi32, #tpu.memory_space<vmem>>) semaphore(%arg15 : memref<!tpu.dma_semaphore, #tpu.memory_space<semaphore_mem>>)
      %dma_start3A_58 = arith.constant 96 : i32
      %dma_start3A_59 = arith.constant 0 : i32
      %dma_start3A_60 = tpu.memref_slice %arg10[%dma_start3A_58, %dma_start3A_59] : memref<192x128xf32, #tpu.memory_space<vmem>> -> memref<96x128xf32, #tpu.memory_space<vmem>>
      %dma_start3A_61 = arith.constant 96 : i32
      %dma_start3A_62 = tpu.memref_slice %arg8[%dma_start3A_61] : memref<192xi32, #tpu.memory_space<vmem>> -> memref<96xi32, #tpu.memory_space<vmem>>
      %dma_start3A_63 = arith.constant 0 : i32
      %dma_start3A_64 = arith.constant 0 : i32
      %dma_start3A_65 = tpu.memref_slice %arg3[%dma_start3A_63, %dma_start3A_64] : memref<32776x128xf32, #tpu.memory_space<hbm>> -> memref<32776x128xf32, #tpu.memory_space<hbm>>
      tpu.enqueue_indirect_dma source(%dma_start3A_65 : memref<32776x128xf32, #tpu.memory_space<hbm>>) target(%dma_start3A_60 : memref<96x128xf32, #tpu.memory_space<vmem>>) offsets(%dma_start3A_62 : memref<96xi32, #tpu.memory_space<vmem>>) semaphore(%arg15 : memref<!tpu.dma_semaphore, #tpu.memory_space<semaphore_mem>>)
      %gt3A_66 = arith.constant 0 : i32
      %gt3A_67 = arith.cmpi sgt, %scan3A_19, %gt3A_66 : i32
      %convert_element_type3A_68 = arith.extui %gt3A_67 : i1 to i32
      %cond3A_69 = arith.constant 0 : i32
      %cond3A_70 = arith.cmpi ne, %convert_element_type3A_68, %cond3A_69 : i32
      scf.if %cond3A_70 {
        %dma_wait3A_187 = arith.constant 0 : i32
        %dma_wait3A_188 = arith.constant 0 : i32
        %dma_wait3A_189 = tpu.memref_slice %arg6[%dma_wait3A_187, %dma_wait3A_188] : memref<1609728x128xf32, #tpu.memory_space<hbm>> -> memref<192x128xf32, #tpu.memory_space<hbm>>
        %dma_wait3A_190 = arith.constant 0 : i32
        %dma_wait3A_191 = arith.constant 0 : i32
        %dma_wait3A_192 = tpu.memref_slice %arg6[%dma_wait3A_190, %dma_wait3A_191] : memref<1609728x128xf32, #tpu.memory_space<hbm>> -> memref<192x128xf32, #tpu.memory_space<hbm>>
        tpu.wait_dma2 semaphore(%arg18 : memref<!tpu.dma_semaphore, #tpu.memory_space<semaphore_mem>>) src(%arg13 : memref<192x128xf32, #tpu.memory_space<vmem>>) dst(%dma_wait3A_192 : memref<192x128xf32, #tpu.memory_space<hbm>>)
      } else {
      }
      %dma_start3A_71 = arith.constant 0 : i32
      %dma_start3A_72 = arith.constant 0 : i32
      %dma_start3A_73 = tpu.memref_slice %arg13[%dma_start3A_71, %dma_start3A_72] : memref<192x128xf32, #tpu.memory_space<vmem>> -> memref<96x128xf32, #tpu.memory_space<vmem>>
      %dma_start3A_74 = arith.constant 0 : i32
      %dma_start3A_75 = tpu.memref_slice %arg11[%dma_start3A_74] : memref<192xi32, #tpu.memory_space<vmem>> -> memref<96xi32, #tpu.memory_space<vmem>>
      %dma_start3A_76 = arith.constant 0 : i32
      %dma_start3A_77 = arith.constant 0 : i32
      %dma_start3A_78 = tpu.memref_slice %arg2[%dma_start3A_76, %dma_start3A_77] : memref<100000x128xf32, #tpu.memory_space<hbm>> -> memref<100000x128xf32, #tpu.memory_space<hbm>>
      tpu.enqueue_indirect_dma source(%dma_start3A_78 : memref<100000x128xf32, #tpu.memory_space<hbm>>) target(%dma_start3A_73 : memref<96x128xf32, #tpu.memory_space<vmem>>) offsets(%dma_start3A_75 : memref<96xi32, #tpu.memory_space<vmem>>) semaphore(%arg16 : memref<!tpu.dma_semaphore, #tpu.memory_space<semaphore_mem>>)
      %dma_start3A_79 = arith.constant 0 : i32
      %dma_start3A_80 = arith.constant 0 : i32
      %dma_start3A_81 = tpu.memref_slice %arg14[%dma_start3A_79, %dma_start3A_80] : memref<192x128xf32, #tpu.memory_space<vmem>> -> memref<96x128xf32, #tpu.memory_space<vmem>>
      %dma_start3A_82 = arith.constant 0 : i32
      %dma_start3A_83 = tpu.memref_slice %arg12[%dma_start3A_82] : memref<192xi32, #tpu.memory_space<vmem>> -> memref<96xi32, #tpu.memory_space<vmem>>
      %dma_start3A_84 = arith.constant 0 : i32
      %dma_start3A_85 = arith.constant 0 : i32
      %dma_start3A_86 = tpu.memref_slice %arg3[%dma_start3A_84, %dma_start3A_85] : memref<32776x128xf32, #tpu.memory_space<hbm>> -> memref<32776x128xf32, #tpu.memory_space<hbm>>
      tpu.enqueue_indirect_dma source(%dma_start3A_86 : memref<32776x128xf32, #tpu.memory_space<hbm>>) target(%dma_start3A_81 : memref<96x128xf32, #tpu.memory_space<vmem>>) offsets(%dma_start3A_83 : memref<96xi32, #tpu.memory_space<vmem>>) semaphore(%arg16 : memref<!tpu.dma_semaphore, #tpu.memory_space<semaphore_mem>>)
      %dma_start3A_87 = arith.constant 96 : i32
      %dma_start3A_88 = arith.constant 0 : i32
      %dma_start3A_89 = tpu.memref_slice %arg13[%dma_start3A_87, %dma_start3A_88] : memref<192x128xf32, #tpu.memory_space<vmem>> -> memref<96x128xf32, #tpu.memory_space<vmem>>
      %dma_start3A_90 = arith.constant 96 : i32
      %dma_start3A_91 = tpu.memref_slice %arg11[%dma_start3A_90] : memref<192xi32, #tpu.memory_space<vmem>> -> memref<96xi32, #tpu.memory_space<vmem>>
      %dma_start3A_92 = arith.constant 0 : i32
      %dma_start3A_93 = arith.constant 0 : i32
      %dma_start3A_94 = tpu.memref_slice %arg2[%dma_start3A_92, %dma_start3A_93] : memref<100000x128xf32, #tpu.memory_space<hbm>> -> memref<100000x128xf32, #tpu.memory_space<hbm>>
      tpu.enqueue_indirect_dma source(%dma_start3A_94 : memref<100000x128xf32, #tpu.memory_space<hbm>>) target(%dma_start3A_89 : memref<96x128xf32, #tpu.memory_space<vmem>>) offsets(%dma_start3A_91 : memref<96xi32, #tpu.memory_space<vmem>>) semaphore(%arg16 : memref<!tpu.dma_semaphore, #tpu.memory_space<semaphore_mem>>)
      %dma_start3A_95 = arith.constant 96 : i32
      %dma_start3A_96 = arith.constant 0 : i32
      %dma_start3A_97 = tpu.memref_slice %arg14[%dma_start3A_95, %dma_start3A_96] : memref<192x128xf32, #tpu.memory_space<vmem>> -> memref<96x128xf32, #tpu.memory_space<vmem>>
      %dma_start3A_98 = arith.constant 96 : i32
      %dma_start3A_99 = tpu.memref_slice %arg12[%dma_start3A_98] : memref<192xi32, #tpu.memory_space<vmem>> -> memref<96xi32, #tpu.memory_space<vmem>>
      %dma_start3A_100 = arith.constant 0 : i32
      %dma_start3A_101 = arith.constant 0 : i32
      %dma_start3A_102 = tpu.memref_slice %arg3[%dma_start3A_100, %dma_start3A_101] : memref<32776x128xf32, #tpu.memory_space<hbm>> -> memref<32776x128xf32, #tpu.memory_space<hbm>>
      tpu.enqueue_indirect_dma source(%dma_start3A_102 : memref<32776x128xf32, #tpu.memory_space<hbm>>) target(%dma_start3A_97 : memref<96x128xf32, #tpu.memory_space<vmem>>) offsets(%dma_start3A_99 : memref<96xi32, #tpu.memory_space<vmem>>) semaphore(%arg16 : memref<!tpu.dma_semaphore, #tpu.memory_space<semaphore_mem>>)
      %dma_wait3A_103 = arith.constant 0 : i32
      %dma_wait3A_104 = arith.constant 0 : i32
      %dma_wait3A_105 = tpu.memref_slice %arg9[%dma_wait3A_103, %dma_wait3A_104] : memref<192x128xf32, #tpu.memory_space<vmem>> -> memref<96x128xf32, #tpu.memory_space<vmem>>
      %dma_wait3A_106 = arith.constant 0 : i32
      %dma_wait3A_107 = tpu.memref_slice %arg7[%dma_wait3A_106] : memref<192xi32, #tpu.memory_space<vmem>> -> memref<96xi32, #tpu.memory_space<vmem>>
      %dma_wait3A_108 = arith.constant 0 : i32
      %dma_wait3A_109 = arith.constant 0 : i32
      %dma_wait3A_110 = tpu.memref_slice %arg2[%dma_wait3A_108, %dma_wait3A_109] : memref<100000x128xf32, #tpu.memory_space<hbm>> -> memref<100000x128xf32, #tpu.memory_space<hbm>>
      tpu.wait_indirect_dma semaphore(%arg15 : memref<!tpu.dma_semaphore, #tpu.memory_space<semaphore_mem>>) src(%dma_wait3A_110 : memref<100000x128xf32, #tpu.memory_space<hbm>>) dst(%dma_wait3A_105 : memref<96x128xf32, #tpu.memory_space<vmem>>)
      %dma_wait3A_111 = arith.constant 0 : i32
      %dma_wait3A_112 = arith.constant 0 : i32
      %dma_wait3A_113 = tpu.memref_slice %arg10[%dma_wait3A_111, %dma_wait3A_112] : memref<192x128xf32, #tpu.memory_space<vmem>> -> memref<96x128xf32, #tpu.memory_space<vmem>>
      %dma_wait3A_114 = arith.constant 0 : i32
      %dma_wait3A_115 = tpu.memref_slice %arg8[%dma_wait3A_114] : memref<192xi32, #tpu.memory_space<vmem>> -> memref<96xi32, #tpu.memory_space<vmem>>
      %dma_wait3A_116 = arith.constant 0 : i32
      %dma_wait3A_117 = arith.constant 0 : i32
      %dma_wait3A_118 = tpu.memref_slice %arg3[%dma_wait3A_116, %dma_wait3A_117] : memref<32776x128xf32, #tpu.memory_space<hbm>> -> memref<32776x128xf32, #tpu.memory_space<hbm>>
      tpu.wait_indirect_dma semaphore(%arg15 : memref<!tpu.dma_semaphore, #tpu.memory_space<semaphore_mem>>) src(%dma_wait3A_118 : memref<32776x128xf32, #tpu.memory_space<hbm>>) dst(%dma_wait3A_113 : memref<96x128xf32, #tpu.memory_space<vmem>>)
      %dma_wait3A_119 = arith.constant 96 : i32
      %dma_wait3A_120 = arith.constant 0 : i32
      %dma_wait3A_121 = tpu.memref_slice %arg9[%dma_wait3A_119, %dma_wait3A_120] : memref<192x128xf32, #tpu.memory_space<vmem>> -> memref<96x128xf32, #tpu.memory_space<vmem>>
      %dma_wait3A_122 = arith.constant 96 : i32
      %dma_wait3A_123 = tpu.memref_slice %arg7[%dma_wait3A_122] : memref<192xi32, #tpu.memory_space<vmem>> -> memref<96xi32, #tpu.memory_space<vmem>>
      %dma_wait3A_124 = arith.constant 0 : i32
      %dma_wait3A_125 = arith.constant 0 : i32
      %dma_wait3A_126 = tpu.memref_slice %arg2[%dma_wait3A_124, %dma_wait3A_125] : memref<100000x128xf32, #tpu.memory_space<hbm>> -> memref<100000x128xf32, #tpu.memory_space<hbm>>
      tpu.wait_indirect_dma semaphore(%arg15 : memref<!tpu.dma_semaphore, #tpu.memory_space<semaphore_mem>>) src(%dma_wait3A_126 : memref<100000x128xf32, #tpu.memory_space<hbm>>) dst(%dma_wait3A_121 : memref<96x128xf32, #tpu.memory_space<vmem>>)
      %dma_wait3A_127 = arith.constant 96 : i32
      %dma_wait3A_128 = arith.constant 0 : i32
      %dma_wait3A_129 = tpu.memref_slice %arg10[%dma_wait3A_127, %dma_wait3A_128] : memref<192x128xf32, #tpu.memory_space<vmem>> -> memref<96x128xf32, #tpu.memory_space<vmem>>
      %dma_wait3A_130 = arith.constant 96 : i32
      %dma_wait3A_131 = tpu.memref_slice %arg8[%dma_wait3A_130] : memref<192xi32, #tpu.memory_space<vmem>> -> memref<96xi32, #tpu.memory_space<vmem>>
      %dma_wait3A_132 = arith.constant 0 : i32
      %dma_wait3A_133 = arith.constant 0 : i32
      %dma_wait3A_134 = tpu.memref_slice %arg3[%dma_wait3A_132, %dma_wait3A_133] : memref<32776x128xf32, #tpu.memory_space<hbm>> -> memref<32776x128xf32, #tpu.memory_space<hbm>>
      tpu.wait_indirect_dma semaphore(%arg15 : memref<!tpu.dma_semaphore, #tpu.memory_space<semaphore_mem>>) src(%dma_wait3A_134 : memref<32776x128xf32, #tpu.memory_space<hbm>>) dst(%dma_wait3A_129 : memref<96x128xf32, #tpu.memory_space<vmem>>)
      %scan3A_135 = arith.constant 0 : i32
      %scan3A_136 = arith.constant 0 : i32
      %scan3A_137 = arith.constant 192 : i32
      %scan3A_138 = arith.addi %scan3A_136, %scan3A_137 : i32
      %scan3A_139 = arith.constant 1 : i32
      scf.for %scan3A_187 = %scan3A_136 to %scan3A_138 step %scan3A_139  : i32 {
        %get3A = arith.index_cast %scan3A_187 : i32 to index
        %get3A_188 = arith.constant 0 : index
        %get3A_189 = tpu.vector_load %arg9[%get3A, %get3A_188] {strides = array<i32>} : memref<192x128xf32, #tpu.memory_space<vmem>>, vector<16xf32>,
        %bitcast_convert_type3A = tpu.bitcast %get3A_189 : vector<16xf32> -> vector<16xi32>
        %and3A = arith.constant -65536 : i32
        %and3A_190 = vector.broadcast %and3A : i32 to vector<16xi32>
        %and3A_191 = arith.andi %bitcast_convert_type3A, %and3A_190 : vector<16xi32>
        %bitcast_convert_type3A_192 = tpu.bitcast %and3A_191 : vector<16xi32> -> vector<16xf32>
        %shift_left3A = arith.constant 16 : i32
        %shift_left3A_193 = vector.broadcast %shift_left3A : i32 to vector<16xi32>
        %shift_left3A_194 = arith.shli %bitcast_convert_type3A, %shift_left3A_193 : vector<16xi32>
        %bitcast_convert_type3A_195 = tpu.bitcast %shift_left3A_194 : vector<16xi32> -> vector<16xf32>
        %get3A_196 = arith.index_cast %scan3A_187 : i32 to index
        %get3A_197 = arith.constant 0 : index
        %get3A_198 = tpu.vector_load %arg10[%get3A_196, %get3A_197] {strides = array<i32>} : memref<192x128xf32, #tpu.memory_space<vmem>>, vector<16xf32>,
        %add3A_199 = arith.addf %bitcast_convert_type3A_192, %get3A_198 : vector<16xf32>
        %get3A_200 = arith.index_cast %scan3A_187 : i32 to index
        %get3A_201 = arith.constant 64 : index
        %get3A_202 = tpu.vector_load %arg10[%get3A_200, %get3A_201] {strides = array<i32>} : memref<192x128xf32, #tpu.memory_space<vmem>>, vector<16xf32>,
        %add3A_203 = arith.addf %bitcast_convert_type3A_195, %get3A_202 : vector<16xf32>
        %pack3A = tpu.pack_subelements %add3A_203, %add3A_199 {pack_format = #tpu.pack_format<interleaved>, positions = array<i32: 0, 1>} : vector<16xf32>, vector<16xf32> -> vector<32xbf16>
        %bitcast3A = vector.bitcast %pack3A : vector<32xbf16> to vector<16xf32>
        %swap3A = arith.index_cast %scan3A_187 : i32 to index
        %swap3A_204 = arith.constant 0 : index
        %swap3A_205 = tpu.vector_load %arg9[%swap3A, %swap3A_204] {strides = array<i32>} : memref<192x128xf32, #tpu.memory_space<vmem>>, vector<16xf32>,
        tpu.vector_store %arg9[%swap3A, %swap3A_204], %bitcast3A {strides = array<i32>} : memref<192x128xf32, #tpu.memory_space<vmem>>, vector<16xf32>,
        %get3A_206 = arith.index_cast %scan3A_187 : i32 to index
        %get3A_207 = arith.constant 16 : index
        %get3A_208 = tpu.vector_load %arg9[%get3A_206, %get3A_207] {strides = array<i32>} : memref<192x128xf32, #tpu.memory_space<vmem>>, vector<16xf32>,
        %bitcast_convert_type3A_209 = tpu.bitcast %get3A_208 : vector<16xf32> -> vector<16xi32>
        %and3A_210 = arith.constant -65536 : i32
        %and3A_211 = vector.broadcast %and3A_210 : i32 to vector<16xi32>
        %and3A_212 = arith.andi %bitcast_convert_type3A_209, %and3A_211 : vector<16xi32>
        %bitcast_convert_type3A_213 = tpu.bitcast %and3A_212 : vector<16xi32> -> vector<16xf32>
        %shift_left3A_214 = arith.constant 16 : i32
        %shift_left3A_215 = vector.broadcast %shift_left3A_214 : i32 to vector<16xi32>
        %shift_left3A_216 = arith.shli %bitcast_convert_type3A_209, %shift_left3A_215 : vector<16xi32>
        %bitcast_convert_type3A_217 = tpu.bitcast %shift_left3A_216 : vector<16xi32> -> vector<16xf32>
        %get3A_218 = arith.index_cast %scan3A_187 : i32 to index
        %get3A_219 = arith.constant 16 : index
        %get3A_220 = tpu.vector_load %arg10[%get3A_218, %get3A_219] {strides = array<i32>} : memref<192x128xf32, #tpu.memory_space<vmem>>, vector<16xf32>,
        %add3A_221 = arith.addf %bitcast_convert_type3A_213, %get3A_220 : vector<16xf32>
        %get3A_222 = arith.index_cast %scan3A_187 : i32 to index
        %get3A_223 = arith.constant 80 : index
        %get3A_224 = tpu.vector_load %arg10[%get3A_222, %get3A_223] {strides = array<i32>} : memref<192x128xf32, #tpu.memory_space<vmem>>, vector<16xf32>,
        %add3A_225 = arith.addf %bitcast_convert_type3A_217, %get3A_224 : vector<16xf32>
        %pack3A_226 = tpu.pack_subelements %add3A_225, %add3A_221 {pack_format = #tpu.pack_format<interleaved>, positions = array<i32: 0, 1>} : vector<16xf32>, vector<16xf32> -> vector<32xbf16>
        %bitcast3A_227 = vector.bitcast %pack3A_226 : vector<32xbf16> to vector<16xf32>
        %swap3A_228 = arith.index_cast %scan3A_187 : i32 to index
        %swap3A_229 = arith.constant 16 : index
        %swap3A_230 = tpu.vector_load %arg9[%swap3A_228, %swap3A_229] {strides = array<i32>} : memref<192x128xf32, #tpu.memory_space<vmem>>, vector<16xf32>,
        tpu.vector_store %arg9[%swap3A_228, %swap3A_229], %bitcast3A_227 {strides = array<i32>} : memref<192x128xf32, #tpu.memory_space<vmem>>, vector<16xf32>,
        %get3A_231 = arith.index_cast %scan3A_187 : i32 to index
        %get3A_232 = arith.constant 32 : index
        %get3A_233 = tpu.vector_load %arg9[%get3A_231, %get3A_232] {strides = array<i32>} : memref<192x128xf32, #tpu.memory_space<vmem>>, vector<16xf32>,
        %bitcast_convert_type3A_234 = tpu.bitcast %get3A_233 : vector<16xf32> -> vector<16xi32>
        %and3A_235 = arith.constant -65536 : i32
        %and3A_236 = vector.broadcast %and3A_235 : i32 to vector<16xi32>
        %and3A_237 = arith.andi %bitcast_convert_type3A_234, %and3A_236 : vector<16xi32>
        %bitcast_convert_type3A_238 = tpu.bitcast %and3A_237 : vector<16xi32> -> vector<16xf32>
        %shift_left3A_239 = arith.constant 16 : i32
        %shift_left3A_240 = vector.broadcast %shift_left3A_239 : i32 to vector<16xi32>
        %shift_left3A_241 = arith.shli %bitcast_convert_type3A_234, %shift_left3A_240 : vector<16xi32>
        %bitcast_convert_type3A_242 = tpu.bitcast %shift_left3A_241 : vector<16xi32> -> vector<16xf32>
        %get3A_243 = arith.index_cast %scan3A_187 : i32 to index
        %get3A_244 = arith.constant 32 : index
        %get3A_245 = tpu.vector_load %arg10[%get3A_243, %get3A_244] {strides = array<i32>} : memref<192x128xf32, #tpu.memory_space<vmem>>, vector<16xf32>,
        %add3A_246 = arith.addf %bitcast_convert_type3A_238, %get3A_245 : vector<16xf32>
        %get3A_247 = arith.index_cast %scan3A_187 : i32 to index
        %get3A_248 = arith.constant 96 : index
        %get3A_249 = tpu.vector_load %arg10[%get3A_247, %get3A_248] {strides = array<i32>} : memref<192x128xf32, #tpu.memory_space<vmem>>, vector<16xf32>,
        %add3A_250 = arith.addf %bitcast_convert_type3A_242, %get3A_249 : vector<16xf32>
        %pack3A_251 = tpu.pack_subelements %add3A_250, %add3A_246 {pack_format = #tpu.pack_format<interleaved>, positions = array<i32: 0, 1>} : vector<16xf32>, vector<16xf32> -> vector<32xbf16>
        %bitcast3A_252 = vector.bitcast %pack3A_251 : vector<32xbf16> to vector<16xf32>
        %swap3A_253 = arith.index_cast %scan3A_187 : i32 to index
        %swap3A_254 = arith.constant 32 : index
        %swap3A_255 = tpu.vector_load %arg9[%swap3A_253, %swap3A_254] {strides = array<i32>} : memref<192x128xf32, #tpu.memory_space<vmem>>, vector<16xf32>,
        tpu.vector_store %arg9[%swap3A_253, %swap3A_254], %bitcast3A_252 {strides = array<i32>} : memref<192x128xf32, #tpu.memory_space<vmem>>, vector<16xf32>,
        %get3A_256 = arith.index_cast %scan3A_187 : i32 to index
        %get3A_257 = arith.constant 48 : index
        %get3A_258 = tpu.vector_load %arg9[%get3A_256, %get3A_257] {strides = array<i32>} : memref<192x128xf32, #tpu.memory_space<vmem>>, vector<16xf32>,
        %bitcast_convert_type3A_259 = tpu.bitcast %get3A_258 : vector<16xf32> -> vector<16xi32>
        %and3A_260 = arith.constant -65536 : i32
        %and3A_261 = vector.broadcast %and3A_260 : i32 to vector<16xi32>
        %and3A_262 = arith.andi %bitcast_convert_type3A_259, %and3A_261 : vector<16xi32>
        %bitcast_convert_type3A_263 = tpu.bitcast %and3A_262 : vector<16xi32> -> vector<16xf32>
        %shift_left3A_264 = arith.constant 16 : i32
        %shift_left3A_265 = vector.broadcast %shift_left3A_264 : i32 to vector<16xi32>
        %shift_left3A_266 = arith.shli %bitcast_convert_type3A_259, %shift_left3A_265 : vector<16xi32>
        %bitcast_convert_type3A_267 = tpu.bitcast %shift_left3A_266 : vector<16xi32> -> vector<16xf32>
        %get3A_268 = arith.index_cast %scan3A_187 : i32 to index
        %get3A_269 = arith.constant 48 : index
        %get3A_270 = tpu.vector_load %arg10[%get3A_268, %get3A_269] {strides = array<i32>} : memref<192x128xf32, #tpu.memory_space<vmem>>, vector<16xf32>,
        %add3A_271 = arith.addf %bitcast_convert_type3A_263, %get3A_270 : vector<16xf32>
        %get3A_272 = arith.index_cast %scan3A_187 : i32 to index
        %get3A_273 = arith.constant 112 : index
        %get3A_274 = tpu.vector_load %arg10[%get3A_272, %get3A_273] {strides = array<i32>} : memref<192x128xf32, #tpu.memory_space<vmem>>, vector<16xf32>,
        %add3A_275 = arith.addf %bitcast_convert_type3A_267, %get3A_274 : vector<16xf32>
        %pack3A_276 = tpu.pack_subelements %add3A_275, %add3A_271 {pack_format = #tpu.pack_format<interleaved>, positions = array<i32: 0, 1>} : vector<16xf32>, vector<16xf32> -> vector<32xbf16>
        %bitcast3A_277 = vector.bitcast %pack3A_276 : vector<32xbf16> to vector<16xf32>
        %swap3A_278 = arith.index_cast %scan3A_187 : i32 to index
        %swap3A_279 = arith.constant 48 : index
        %swap3A_280 = tpu.vector_load %arg9[%swap3A_278, %swap3A_279] {strides = array<i32>} : memref<192x128xf32, #tpu.memory_space<vmem>>, vector<16xf32>,
        tpu.vector_store %arg9[%swap3A_278, %swap3A_279], %bitcast3A_277 {strides = array<i32>} : memref<192x128xf32, #tpu.memory_space<vmem>>, vector<16xf32>,
      }
      %scan3A_140 = arith.constant 192 : i32
      %dma_start3A_141 = arith.constant 0 : i32
      %dma_start3A_142 = tpu.memref_slice %arg6[%multiple_of3A, %dma_start3A_141] : memref<1609728x128xf32, #tpu.memory_space<hbm>> -> memref<192x128xf32, #tpu.memory_space<hbm>>
      %dma_start3A_143 = arith.constant 0 : i32
      %dma_start3A_144 = tpu.memref_slice %arg6[%multiple_of3A, %dma_start3A_143] : memref<1609728x128xf32, #tpu.memory_space<hbm>> -> memref<192x128xf32, #tpu.memory_space<hbm>>
      tpu.enqueue_dma source(%arg9 : memref<192x128xf32, #tpu.memory_space<vmem>>) target(%dma_start3A_144 : memref<192x128xf32, #tpu.memory_space<hbm>>) target_semaphore(%arg17 : memref<!tpu.dma_semaphore, #tpu.memory_space<semaphore_mem>>)
      %dma_wait3A_145 = arith.constant 0 : i32
      %dma_wait3A_146 = arith.constant 0 : i32
      %dma_wait3A_147 = tpu.memref_slice %arg13[%dma_wait3A_145, %dma_wait3A_146] : memref<192x128xf32, #tpu.memory_space<vmem>> -> memref<96x128xf32, #tpu.memory_space<vmem>>
      %dma_wait3A_148 = arith.constant 0 : i32
      %dma_wait3A_149 = tpu.memref_slice %arg11[%dma_wait3A_148] : memref<192xi32, #tpu.memory_space<vmem>> -> memref<96xi32, #tpu.memory_space<vmem>>
      %dma_wait3A_150 = arith.constant 0 : i32
      %dma_wait3A_151 = arith.constant 0 : i32
      %dma_wait3A_152 = tpu.memref_slice %arg2[%dma_wait3A_150, %dma_wait3A_151] : memref<100000x128xf32, #tpu.memory_space<hbm>> -> memref<100000x128xf32, #tpu.memory_space<hbm>>
      tpu.wait_indirect_dma semaphore(%arg16 : memref<!tpu.dma_semaphore, #tpu.memory_space<semaphore_mem>>) src(%dma_wait3A_152 : memref<100000x128xf32, #tpu.memory_space<hbm>>) dst(%dma_wait3A_147 : memref<96x128xf32, #tpu.memory_space<vmem>>)
      %dma_wait3A_153 = arith.constant 0 : i32
      %dma_wait3A_154 = arith.constant 0 : i32
      %dma_wait3A_155 = tpu.memref_slice %arg14[%dma_wait3A_153, %dma_wait3A_154] : memref<192x128xf32, #tpu.memory_space<vmem>> -> memref<96x128xf32, #tpu.memory_space<vmem>>
      %dma_wait3A_156 = arith.constant 0 : i32
      %dma_wait3A_157 = tpu.memref_slice %arg12[%dma_wait3A_156] : memref<192xi32, #tpu.memory_space<vmem>> -> memref<96xi32, #tpu.memory_space<vmem>>
      %dma_wait3A_158 = arith.constant 0 : i32
      %dma_wait3A_159 = arith.constant 0 : i32
      %dma_wait3A_160 = tpu.memref_slice %arg3[%dma_wait3A_158, %dma_wait3A_159] : memref<32776x128xf32, #tpu.memory_space<hbm>> -> memref<32776x128xf32, #tpu.memory_space<hbm>>
      tpu.wait_indirect_dma semaphore(%arg16 : memref<!tpu.dma_semaphore, #tpu.memory_space<semaphore_mem>>) src(%dma_wait3A_160 : memref<32776x128xf32, #tpu.memory_space<hbm>>) dst(%dma_wait3A_155 : memref<96x128xf32, #tpu.memory_space<vmem>>)
      %dma_wait3A_161 = arith.constant 96 : i32
      %dma_wait3A_162 = arith.constant 0 : i32
      %dma_wait3A_163 = tpu.memref_slice %arg13[%dma_wait3A_161, %dma_wait3A_162] : memref<192x128xf32, #tpu.memory_space<vmem>> -> memref<96x128xf32, #tpu.memory_space<vmem>>
      %dma_wait3A_164 = arith.constant 96 : i32
      %dma_wait3A_165 = tpu.memref_slice %arg11[%dma_wait3A_164] : memref<192xi32, #tpu.memory_space<vmem>> -> memref<96xi32, #tpu.memory_space<vmem>>
      %dma_wait3A_166 = arith.constant 0 : i32
      %dma_wait3A_167 = arith.constant 0 : i32
      %dma_wait3A_168 = tpu.memref_slice %arg2[%dma_wait3A_166, %dma_wait3A_167] : memref<100000x128xf32, #tpu.memory_space<hbm>> -> memref<100000x128xf32, #tpu.memory_space<hbm>>
      tpu.wait_indirect_dma semaphore(%arg16 : memref<!tpu.dma_semaphore, #tpu.memory_space<semaphore_mem>>) src(%dma_wait3A_168 : memref<100000x128xf32, #tpu.memory_space<hbm>>) dst(%dma_wait3A_163 : memref<96x128xf32, #tpu.memory_space<vmem>>)
      %dma_wait3A_169 = arith.constant 96 : i32
      %dma_wait3A_170 = arith.constant 0 : i32
      %dma_wait3A_171 = tpu.memref_slice %arg14[%dma_wait3A_169, %dma_wait3A_170] : memref<192x128xf32, #tpu.memory_space<vmem>> -> memref<96x128xf32, #tpu.memory_space<vmem>>
      %dma_wait3A_172 = arith.constant 96 : i32
      %dma_wait3A_173 = tpu.memref_slice %arg12[%dma_wait3A_172] : memref<192xi32, #tpu.memory_space<vmem>> -> memref<96xi32, #tpu.memory_space<vmem>>
      %dma_wait3A_174 = arith.constant 0 : i32
      %dma_wait3A_175 = arith.constant 0 : i32
      %dma_wait3A_176 = tpu.memref_slice %arg3[%dma_wait3A_174, %dma_wait3A_175] : memref<32776x128xf32, #tpu.memory_space<hbm>> -> memref<32776x128xf32, #tpu.memory_space<hbm>>
      tpu.wait_indirect_dma semaphore(%arg16 : memref<!tpu.dma_semaphore, #tpu.memory_space<semaphore_mem>>) src(%dma_wait3A_176 : memref<32776x128xf32, #tpu.memory_space<hbm>>) dst(%dma_wait3A_171 : memref<96x128xf32, #tpu.memory_space<vmem>>)
      %scan3A_177 = arith.constant 0 : i32
      %scan3A_178 = arith.constant 0 : i32
      %scan3A_179 = arith.constant 192 : i32
      %scan3A_180 = arith.addi %scan3A_178, %scan3A_179 : i32
      %scan3A_181 = arith.constant 1 : i32
      scf.for %scan3A_187 = %scan3A_178 to %scan3A_180 step %scan3A_181  : i32 {
        %get3A = arith.index_cast %scan3A_187 : i32 to index
        %get3A_188 = arith.constant 0 : index
        %get3A_189 = tpu.vector_load %arg13[%get3A, %get3A_188] {strides = array<i32>} : memref<192x128xf32, #tpu.memory_space<vmem>>, vector<16xf32>,
        %bitcast_convert_type3A = tpu.bitcast %get3A_189 : vector<16xf32> -> vector<16xi32>
        %and3A = arith.constant -65536 : i32
        %and3A_190 = vector.broadcast %and3A : i32 to vector<16xi32>
        %and3A_191 = arith.andi %bitcast_convert_type3A, %and3A_190 : vector<16xi32>
        %bitcast_convert_type3A_192 = tpu.bitcast %and3A_191 : vector<16xi32> -> vector<16xf32>
        %shift_left3A = arith.constant 16 : i32
        %shift_left3A_193 = vector.broadcast %shift_left3A : i32 to vector<16xi32>
        %shift_left3A_194 = arith.shli %bitcast_convert_type3A, %shift_left3A_193 : vector<16xi32>
        %bitcast_convert_type3A_195 = tpu.bitcast %shift_left3A_194 : vector<16xi32> -> vector<16xf32>
        %get3A_196 = arith.index_cast %scan3A_187 : i32 to index
        %get3A_197 = arith.constant 0 : index
        %get3A_198 = tpu.vector_load %arg14[%get3A_196, %get3A_197] {strides = array<i32>} : memref<192x128xf32, #tpu.memory_space<vmem>>, vector<16xf32>,
        %add3A_199 = arith.addf %bitcast_convert_type3A_192, %get3A_198 : vector<16xf32>
        %get3A_200 = arith.index_cast %scan3A_187 : i32 to index
        %get3A_201 = arith.constant 64 : index
        %get3A_202 = tpu.vector_load %arg14[%get3A_200, %get3A_201] {strides = array<i32>} : memref<192x128xf32, #tpu.memory_space<vmem>>, vector<16xf32>,
        %add3A_203 = arith.addf %bitcast_convert_type3A_195, %get3A_202 : vector<16xf32>
        %pack3A = tpu.pack_subelements %add3A_203, %add3A_199 {pack_format = #tpu.pack_format<interleaved>, positions = array<i32: 0, 1>} : vector<16xf32>, vector<16xf32> -> vector<32xbf16>
        %bitcast3A = vector.bitcast %pack3A : vector<32xbf16> to vector<16xf32>
        %swap3A = arith.index_cast %scan3A_187 : i32 to index
        %swap3A_204 = arith.constant 0 : index
        %swap3A_205 = tpu.vector_load %arg13[%swap3A, %swap3A_204] {strides = array<i32>} : memref<192x128xf32, #tpu.memory_space<vmem>>, vector<16xf32>,
        tpu.vector_store %arg13[%swap3A, %swap3A_204], %bitcast3A {strides = array<i32>} : memref<192x128xf32, #tpu.memory_space<vmem>>, vector<16xf32>,
        %get3A_206 = arith.index_cast %scan3A_187 : i32 to index
        %get3A_207 = arith.constant 16 : index
        %get3A_208 = tpu.vector_load %arg13[%get3A_206, %get3A_207] {strides = array<i32>} : memref<192x128xf32, #tpu.memory_space<vmem>>, vector<16xf32>,
        %bitcast_convert_type3A_209 = tpu.bitcast %get3A_208 : vector<16xf32> -> vector<16xi32>
        %and3A_210 = arith.constant -65536 : i32
        %and3A_211 = vector.broadcast %and3A_210 : i32 to vector<16xi32>
        %and3A_212 = arith.andi %bitcast_convert_type3A_209, %and3A_211 : vector<16xi32>
        %bitcast_convert_type3A_213 = tpu.bitcast %and3A_212 : vector<16xi32> -> vector<16xf32>
        %shift_left3A_214 = arith.constant 16 : i32
        %shift_left3A_215 = vector.broadcast %shift_left3A_214 : i32 to vector<16xi32>
        %shift_left3A_216 = arith.shli %bitcast_convert_type3A_209, %shift_left3A_215 : vector<16xi32>
        %bitcast_convert_type3A_217 = tpu.bitcast %shift_left3A_216 : vector<16xi32> -> vector<16xf32>
        %get3A_218 = arith.index_cast %scan3A_187 : i32 to index
        %get3A_219 = arith.constant 16 : index
        %get3A_220 = tpu.vector_load %arg14[%get3A_218, %get3A_219] {strides = array<i32>} : memref<192x128xf32, #tpu.memory_space<vmem>>, vector<16xf32>,
        %add3A_221 = arith.addf %bitcast_convert_type3A_213, %get3A_220 : vector<16xf32>
        %get3A_222 = arith.index_cast %scan3A_187 : i32 to index
        %get3A_223 = arith.constant 80 : index
        %get3A_224 = tpu.vector_load %arg14[%get3A_222, %get3A_223] {strides = array<i32>} : memref<192x128xf32, #tpu.memory_space<vmem>>, vector<16xf32>,
        %add3A_225 = arith.addf %bitcast_convert_type3A_217, %get3A_224 : vector<16xf32>
        %pack3A_226 = tpu.pack_subelements %add3A_225, %add3A_221 {pack_format = #tpu.pack_format<interleaved>, positions = array<i32: 0, 1>} : vector<16xf32>, vector<16xf32> -> vector<32xbf16>
        %bitcast3A_227 = vector.bitcast %pack3A_226 : vector<32xbf16> to vector<16xf32>
        %swap3A_228 = arith.index_cast %scan3A_187 : i32 to index
        %swap3A_229 = arith.constant 16 : index
        %swap3A_230 = tpu.vector_load %arg13[%swap3A_228, %swap3A_229] {strides = array<i32>} : memref<192x128xf32, #tpu.memory_space<vmem>>, vector<16xf32>,
        tpu.vector_store %arg13[%swap3A_228, %swap3A_229], %bitcast3A_227 {strides = array<i32>} : memref<192x128xf32, #tpu.memory_space<vmem>>, vector<16xf32>,
        %get3A_231 = arith.index_cast %scan3A_187 : i32 to index
        %get3A_232 = arith.constant 32 : index
        %get3A_233 = tpu.vector_load %arg13[%get3A_231, %get3A_232] {strides = array<i32>} : memref<192x128xf32, #tpu.memory_space<vmem>>, vector<16xf32>,
        %bitcast_convert_type3A_234 = tpu.bitcast %get3A_233 : vector<16xf32> -> vector<16xi32>
        %and3A_235 = arith.constant -65536 : i32
        %and3A_236 = vector.broadcast %and3A_235 : i32 to vector<16xi32>
        %and3A_237 = arith.andi %bitcast_convert_type3A_234, %and3A_236 : vector<16xi32>
        %bitcast_convert_type3A_238 = tpu.bitcast %and3A_237 : vector<16xi32> -> vector<16xf32>
        %shift_left3A_239 = arith.constant 16 : i32
        %shift_left3A_240 = vector.broadcast %shift_left3A_239 : i32 to vector<16xi32>
        %shift_left3A_241 = arith.shli %bitcast_convert_type3A_234, %shift_left3A_240 : vector<16xi32>
        %bitcast_convert_type3A_242 = tpu.bitcast %shift_left3A_241 : vector<16xi32> -> vector<16xf32>
        %get3A_243 = arith.index_cast %scan3A_187 : i32 to index
        %get3A_244 = arith.constant 32 : index
        %get3A_245 = tpu.vector_load %arg14[%get3A_243, %get3A_244] {strides = array<i32>} : memref<192x128xf32, #tpu.memory_space<vmem>>, vector<16xf32>,
        %add3A_246 = arith.addf %bitcast_convert_type3A_238, %get3A_245 : vector<16xf32>
        %get3A_247 = arith.index_cast %scan3A_187 : i32 to index
        %get3A_248 = arith.constant 96 : index
        %get3A_249 = tpu.vector_load %arg14[%get3A_247, %get3A_248] {strides = array<i32>} : memref<192x128xf32, #tpu.memory_space<vmem>>, vector<16xf32>,
        %add3A_250 = arith.addf %bitcast_convert_type3A_242, %get3A_249 : vector<16xf32>
        %pack3A_251 = tpu.pack_subelements %add3A_250, %add3A_246 {pack_format = #tpu.pack_format<interleaved>, positions = array<i32: 0, 1>} : vector<16xf32>, vector<16xf32> -> vector<32xbf16>
        %bitcast3A_252 = vector.bitcast %pack3A_251 : vector<32xbf16> to vector<16xf32>
        %swap3A_253 = arith.index_cast %scan3A_187 : i32 to index
        %swap3A_254 = arith.constant 32 : index
        %swap3A_255 = tpu.vector_load %arg13[%swap3A_253, %swap3A_254] {strides = array<i32>} : memref<192x128xf32, #tpu.memory_space<vmem>>, vector<16xf32>,
        tpu.vector_store %arg13[%swap3A_253, %swap3A_254], %bitcast3A_252 {strides = array<i32>} : memref<192x128xf32, #tpu.memory_space<vmem>>, vector<16xf32>,
        %get3A_256 = arith.index_cast %scan3A_187 : i32 to index
        %get3A_257 = arith.constant 48 : index
        %get3A_258 = tpu.vector_load %arg13[%get3A_256, %get3A_257] {strides = array<i32>} : memref<192x128xf32, #tpu.memory_space<vmem>>, vector<16xf32>,
        %bitcast_convert_type3A_259 = tpu.bitcast %get3A_258 : vector<16xf32> -> vector<16xi32>
        %and3A_260 = arith.constant -65536 : i32
        %and3A_261 = vector.broadcast %and3A_260 : i32 to vector<16xi32>
        %and3A_262 = arith.andi %bitcast_convert_type3A_259, %and3A_261 : vector<16xi32>
        %bitcast_convert_type3A_263 = tpu.bitcast %and3A_262 : vector<16xi32> -> vector<16xf32>
        %shift_left3A_264 = arith.constant 16 : i32
        %shift_left3A_265 = vector.broadcast %shift_left3A_264 : i32 to vector<16xi32>
        %shift_left3A_266 = arith.shli %bitcast_convert_type3A_259, %shift_left3A_265 : vector<16xi32>
        %bitcast_convert_type3A_267 = tpu.bitcast %shift_left3A_266 : vector<16xi32> -> vector<16xf32>
        %get3A_268 = arith.index_cast %scan3A_187 : i32 to index
        %get3A_269 = arith.constant 48 : index
        %get3A_270 = tpu.vector_load %arg14[%get3A_268, %get3A_269] {strides = array<i32>} : memref<192x128xf32, #tpu.memory_space<vmem>>, vector<16xf32>,
        %add3A_271 = arith.addf %bitcast_convert_type3A_263, %get3A_270 : vector<16xf32>
        %get3A_272 = arith.index_cast %scan3A_187 : i32 to index
        %get3A_273 = arith.constant 112 : index
        %get3A_274 = tpu.vector_load %arg14[%get3A_272, %get3A_273] {strides = array<i32>} : memref<192x128xf32, #tpu.memory_space<vmem>>, vector<16xf32>,
        %add3A_275 = arith.addf %bitcast_convert_type3A_267, %get3A_274 : vector<16xf32>
        %pack3A_276 = tpu.pack_subelements %add3A_275, %add3A_271 {pack_format = #tpu.pack_format<interleaved>, positions = array<i32: 0, 1>} : vector<16xf32>, vector<16xf32> -> vector<32xbf16>
        %bitcast3A_277 = vector.bitcast %pack3A_276 : vector<32xbf16> to vector<16xf32>
        %swap3A_278 = arith.index_cast %scan3A_187 : i32 to index
        %swap3A_279 = arith.constant 48 : index
        %swap3A_280 = tpu.vector_load %arg13[%swap3A_278, %swap3A_279] {strides = array<i32>} : memref<192x128xf32, #tpu.memory_space<vmem>>, vector<16xf32>,
        tpu.vector_store %arg13[%swap3A_278, %swap3A_279], %bitcast3A_277 {strides = array<i32>} : memref<192x128xf32, #tpu.memory_space<vmem>>, vector<16xf32>,
      }
      %scan3A_182 = arith.constant 192 : i32
      %dma_start3A_183 = arith.constant 0 : i32
      %dma_start3A_184 = tpu.memref_slice %arg6[%multiple_of3A_32, %dma_start3A_183] : memref<1609728x128xf32, #tpu.memory_space<hbm>> -> memref<192x128xf32, #tpu.memory_space<hbm>>
      %dma_start3A_185 = arith.constant 0 : i32
      %dma_start3A_186 = tpu.memref_slice %arg6[%multiple_of3A_32, %dma_start3A_185] : memref<1609728x128xf32, #tpu.memory_space<hbm>> -> memref<192x128xf32, #tpu.memory_space<hbm>>
      tpu.enqueue_dma source(%arg13 : memref<192x128xf32, #tpu.memory_space<vmem>>) target(%dma_start3A_186 : memref<192x128xf32, #tpu.memory_space<hbm>>) target_semaphore(%arg18 : memref<!tpu.dma_semaphore, #tpu.memory_space<semaphore_mem>>)
    }
    %scan3A_7 = arith.constant 131 : i32
    %dma_wait3A = arith.constant 0 : i32
    %dma_wait3A_8 = arith.constant 0 : i32
    %dma_wait3A_9 = tpu.memref_slice %arg6[%dma_wait3A, %dma_wait3A_8] : memref<1609728x128xf32, #tpu.memory_space<hbm>> -> memref<192x128xf32, #tpu.memory_space<hbm>>
    %dma_wait3A_10 = arith.constant 0 : i32
    %dma_wait3A_11 = arith.constant 0 : i32
    %dma_wait3A_12 = tpu.memref_slice %arg6[%dma_wait3A_10, %dma_wait3A_11] : memref<1609728x128xf32, #tpu.memory_space<hbm>> -> memref<192x128xf32, #tpu.memory_space<hbm>>
    tpu.wait_dma2 semaphore(%arg17 : memref<!tpu.dma_semaphore, #tpu.memory_space<semaphore_mem>>) src(%arg9 : memref<192x128xf32, #tpu.memory_space<vmem>>) dst(%dma_wait3A_12 : memref<192x128xf32, #tpu.memory_space<hbm>>)
    %dma_wait3A_13 = arith.constant 0 : i32
    %dma_wait3A_14 = arith.constant 0 : i32
    %dma_wait3A_15 = tpu.memref_slice %arg6[%dma_wait3A_13, %dma_wait3A_14] : memref<1609728x128xf32, #tpu.memory_space<hbm>> -> memref<192x128xf32, #tpu.memory_space<hbm>>
    %dma_wait3A_16 = arith.constant 0 : i32
    %dma_wait3A_17 = arith.constant 0 : i32
    %dma_wait3A_18 = tpu.memref_slice %arg6[%dma_wait3A_16, %dma_wait3A_17] : memref<1609728x128xf32, #tpu.memory_space<hbm>> -> memref<192x128xf32, #tpu.memory_space<hbm>>
    tpu.wait_dma2 semaphore(%arg18 : memref<!tpu.dma_semaphore, #tpu.memory_space<semaphore_mem>>) src(%arg13 : memref<192x128xf32, #tpu.memory_space<vmem>>) dst(%dma_wait3A_18 : memref<192x128xf32, #tpu.memory_space<hbm>>)
    return
  }
}

#map = affine_map<(d0, d1) -> (0, 0)>
#map1 = affine_map<(d0, d1) -> (0)>
#map2 = affine_map<(d0, d1) -> (0, 0, 0)>
module attributes {stable_mosaic.version = 14 : i64} {
  func.func @_scatter_body(%arg0: i32, %arg1: i32, %arg2: memref<1609728x32xf32, #tpu.memory_space<hbm>>, %arg3: memref<1609728xi32, #tpu.memory_space<hbm>>, %arg4: memref<2x32768x128xf32, #tpu.memory_space<hbm>>, %arg5: memref<128xi32, #tpu.memory_space<vmem>>, %arg6: memref<128x32xf32, #tpu.memory_space<vmem>>, %arg7: memref<128x32xf32, #tpu.memory_space<vmem>>, %arg8: memref<128x128xf32, #tpu.memory_space<vmem>>, %arg9: memref<34816x32xf32, #tpu.memory_space<vmem_shared>>, %arg10: memref<!tpu.dma_semaphore, #tpu.memory_space<semaphore_mem>>) attributes {dimension_semantics = [#tpu.dimension_semantics<core_parallel>, #tpu.dimension_semantics<subcore_parallel>], iteration_bounds = array<i64: 2, 16>, scalar_prefetch = 0 : i64, scratch_operands = 6 : i64, tpu.core_type = #tpu.core_type<sc_vector_subcore>, window_params = [{transform_indices = #map}, {transform_indices = #map1}, {transform_indices = #map2}]} {
    %mul3A = arith.constant 2 : i32
    %mul3A_0 = arith.muli %arg1, %mul3A : i32
    %add3A = arith.addi %mul3A_0, %arg0 : i32
    %mul3A_1 = arith.constant 50304 : i32
    %mul3A_2 = arith.muli %add3A, %mul3A_1 : i32
    %broadcast_in_dim3A = arith.constant 0.000000e+00 : f32
    %broadcast_in_dim3A_3 = vector.broadcast %broadcast_in_dim3A : f32 to vector<16xf32>
    %scan3A = arith.constant 0 : i32
    %scan3A_4 = arith.constant 0 : i32
    %scan3A_5 = arith.constant 128 : i32
    %scan3A_6 = arith.addi %scan3A_4, %scan3A_5 : i32
    %scan3A_7 = arith.constant 1 : i32
    scf.for %scan3A_28 = %scan3A_4 to %scan3A_6 step %scan3A_7  : i32 {
      %swap3A = arith.index_cast %scan3A_28 : i32 to index
      %swap3A_29 = arith.constant 0 : index
      %swap3A_30 = tpu.vector_load %arg7[%swap3A, %swap3A_29] {strides = array<i32>} : memref<128x32xf32, #tpu.memory_space<vmem>>, vector<16xf32>,
      tpu.vector_store %arg7[%swap3A, %swap3A_29], %broadcast_in_dim3A_3 {strides = array<i32>} : memref<128x32xf32, #tpu.memory_space<vmem>>, vector<16xf32>,
      %swap3A_31 = arith.index_cast %scan3A_28 : i32 to index
      %swap3A_32 = arith.constant 16 : index
      %swap3A_33 = tpu.vector_load %arg7[%swap3A_31, %swap3A_32] {strides = array<i32>} : memref<128x32xf32, #tpu.memory_space<vmem>>, vector<16xf32>,
      tpu.vector_store %arg7[%swap3A_31, %swap3A_32], %broadcast_in_dim3A_3 {strides = array<i32>} : memref<128x32xf32, #tpu.memory_space<vmem>>, vector<16xf32>,
    }
    %scan3A_8 = arith.constant 128 : i32
    %scan3A_9 = arith.constant 0 : i32
    %scan3A_10 = arith.constant 0 : i32
    %scan3A_11 = arith.constant 17 : i32
    %scan3A_12 = arith.addi %scan3A_10, %scan3A_11 : i32
    %scan3A_13 = arith.constant 1 : i32
    scf.for %scan3A_28 = %scan3A_10 to %scan3A_12 step %scan3A_13  : i32 {
      %mul3A_29 = arith.constant 2176 : i32
      %mul3A_30 = arith.muli %arg1, %mul3A_29 : i32
      %mul3A_31 = arith.constant 128 : i32
      %mul3A_32 = arith.muli %scan3A_28, %mul3A_31 : i32
      %add3A_33 = arith.addi %mul3A_30, %mul3A_32 : i32
      "tpu.region"() ({
        %run_scoped3A = tpu.sem_alloc : memref<!tpu.dma_semaphore, #tpu.memory_space<semaphore_mem>>
        %dma_start3A = arith.constant 0 : i32
        %dma_start3A_34 = tpu.memref_slice %arg9[%add3A_33, %dma_start3A] : memref<34816x32xf32, #tpu.memory_space<vmem_shared>> -> memref<128x32xf32, #tpu.memory_space<vmem_shared>>
        %dma_start3A_35 = arith.constant 0 : i32
        %dma_start3A_36 = tpu.memref_slice %arg9[%add3A_33, %dma_start3A_35] : memref<34816x32xf32, #tpu.memory_space<vmem_shared>> -> memref<128x32xf32, #tpu.memory_space<vmem_shared>>
        tpu.enqueue_dma source(%arg7 : memref<128x32xf32, #tpu.memory_space<vmem>>) target(%dma_start3A_36 : memref<128x32xf32, #tpu.memory_space<vmem_shared>>) target_semaphore(%run_scoped3A : memref<!tpu.dma_semaphore, #tpu.memory_space<semaphore_mem>>)
        %dma_wait3A = arith.constant 0 : i32
        %dma_wait3A_37 = tpu.memref_slice %arg9[%add3A_33, %dma_wait3A] : memref<34816x32xf32, #tpu.memory_space<vmem_shared>> -> memref<128x32xf32, #tpu.memory_space<vmem_shared>>
        %dma_wait3A_38 = arith.constant 0 : i32
        %dma_wait3A_39 = tpu.memref_slice %arg9[%add3A_33, %dma_wait3A_38] : memref<34816x32xf32, #tpu.memory_space<vmem_shared>> -> memref<128x32xf32, #tpu.memory_space<vmem_shared>>
        tpu.wait_dma2 semaphore(%run_scoped3A : memref<!tpu.dma_semaphore, #tpu.memory_space<semaphore_mem>>) src(%arg7 : memref<128x32xf32, #tpu.memory_space<vmem>>) dst(%dma_wait3A_39 : memref<128x32xf32, #tpu.memory_space<vmem_shared>>)
        tpu.yield
      }) : () -> ()
    }
    %scan3A_14 = arith.constant 17 : i32
    %barrier3A = arith.constant 0 : index
    tpu.barrier barrier_id(%barrier3A)
    %scan3A_15 = arith.constant 0 : i32
    %scan3A_16 = arith.constant 0 : i32
    %scan3A_17 = arith.constant 393 : i32
    %scan3A_18 = arith.addi %scan3A_16, %scan3A_17 : i32
    %scan3A_19 = arith.constant 1 : i32
    scf.for %scan3A_28 = %scan3A_16 to %scan3A_18 step %scan3A_19  : i32 {
      %mul3A_29 = arith.constant 128 : i32
      %mul3A_30 = arith.muli %scan3A_28, %mul3A_29 : i32
      %add3A_31 = arith.addi %mul3A_2, %mul3A_30 : i32
      %multiple_of3A = tpu.assume_multiple %add3A_31, 8 : i32
      "tpu.region"() ({
        %run_scoped3A = tpu.sem_alloc : memref<!tpu.dma_semaphore, #tpu.memory_space<semaphore_mem>>
        %dma_start3A = tpu.memref_slice %arg3[%multiple_of3A] : memref<1609728xi32, #tpu.memory_space<hbm>> -> memref<128xi32, #tpu.memory_space<hbm>>
        %dma_start3A_32 = tpu.memref_slice %arg3[%multiple_of3A] : memref<1609728xi32, #tpu.memory_space<hbm>> -> memref<128xi32, #tpu.memory_space<hbm>>
        tpu.enqueue_dma source(%dma_start3A_32 : memref<128xi32, #tpu.memory_space<hbm>>) target(%arg5 : memref<128xi32, #tpu.memory_space<vmem>>) target_semaphore(%run_scoped3A : memref<!tpu.dma_semaphore, #tpu.memory_space<semaphore_mem>>)
        %dma_wait3A = tpu.memref_slice %arg3[%multiple_of3A] : memref<1609728xi32, #tpu.memory_space<hbm>> -> memref<128xi32, #tpu.memory_space<hbm>>
        %dma_wait3A_33 = tpu.memref_slice %arg3[%multiple_of3A] : memref<1609728xi32, #tpu.memory_space<hbm>> -> memref<128xi32, #tpu.memory_space<hbm>>
        tpu.wait_dma2 semaphore(%run_scoped3A : memref<!tpu.dma_semaphore, #tpu.memory_space<semaphore_mem>>) src(%dma_wait3A_33 : memref<128xi32, #tpu.memory_space<hbm>>) dst(%arg5 : memref<128xi32, #tpu.memory_space<vmem>>)
        tpu.yield
      }) : () -> ()
      "tpu.region"() ({
        %run_scoped3A = tpu.sem_alloc : memref<!tpu.dma_semaphore, #tpu.memory_space<semaphore_mem>>
        %dma_start3A = arith.constant 0 : i32
        %dma_start3A_32 = tpu.memref_slice %arg2[%multiple_of3A, %dma_start3A] : memref<1609728x32xf32, #tpu.memory_space<hbm>> -> memref<128x32xf32, #tpu.memory_space<hbm>>
        %dma_start3A_33 = arith.constant 0 : i32
        %dma_start3A_34 = tpu.memref_slice %arg2[%multiple_of3A, %dma_start3A_33] : memref<1609728x32xf32, #tpu.memory_space<hbm>> -> memref<128x32xf32, #tpu.memory_space<hbm>>
        tpu.enqueue_dma source(%dma_start3A_34 : memref<128x32xf32, #tpu.memory_space<hbm>>) target(%arg6 : memref<128x32xf32, #tpu.memory_space<vmem>>) target_semaphore(%run_scoped3A : memref<!tpu.dma_semaphore, #tpu.memory_space<semaphore_mem>>)
        %dma_wait3A = arith.constant 0 : i32
        %dma_wait3A_35 = tpu.memref_slice %arg2[%multiple_of3A, %dma_wait3A] : memref<1609728x32xf32, #tpu.memory_space<hbm>> -> memref<128x32xf32, #tpu.memory_space<hbm>>
        %dma_wait3A_36 = arith.constant 0 : i32
        %dma_wait3A_37 = tpu.memref_slice %arg2[%multiple_of3A, %dma_wait3A_36] : memref<1609728x32xf32, #tpu.memory_space<hbm>> -> memref<128x32xf32, #tpu.memory_space<hbm>>
        tpu.wait_dma2 semaphore(%run_scoped3A : memref<!tpu.dma_semaphore, #tpu.memory_space<semaphore_mem>>) src(%dma_wait3A_37 : memref<128x32xf32, #tpu.memory_space<hbm>>) dst(%arg6 : memref<128x32xf32, #tpu.memory_space<vmem>>)
        tpu.yield
      }) : () -> ()
      "tpu.region"() ({
        %run_scoped3A = tpu.sem_alloc : memref<!tpu.dma_semaphore, #tpu.memory_space<semaphore_mem>>
        %dma_start3A = arith.constant 0 : i32
        %dma_start3A_32 = arith.constant 0 : i32
        %dma_start3A_33 = tpu.memref_slice %arg9[%dma_start3A, %dma_start3A_32] : memref<34816x32xf32, #tpu.memory_space<vmem_shared>> -> memref<34816x32xf32, #tpu.memory_space<vmem_shared>>
        tpu.enqueue_indirect_dma source(%arg6 : memref<128x32xf32, #tpu.memory_space<vmem>>) target(%dma_start3A_33 : memref<34816x32xf32, #tpu.memory_space<vmem_shared>>) offsets(%arg5 : memref<128xi32, #tpu.memory_space<vmem>>) semaphore(%run_scoped3A : memref<!tpu.dma_semaphore, #tpu.memory_space<semaphore_mem>>) {add = true}
        %dma_wait3A = arith.constant 0 : i32
        %dma_wait3A_34 = arith.constant 0 : i32
        %dma_wait3A_35 = tpu.memref_slice %arg9[%dma_wait3A, %dma_wait3A_34] : memref<34816x32xf32, #tpu.memory_space<vmem_shared>> -> memref<34816x32xf32, #tpu.memory_space<vmem_shared>>
        tpu.wait_indirect_dma semaphore(%run_scoped3A : memref<!tpu.dma_semaphore, #tpu.memory_space<semaphore_mem>>) src(%arg6 : memref<128x32xf32, #tpu.memory_space<vmem>>) dst(%dma_wait3A_35 : memref<34816x32xf32, #tpu.memory_space<vmem_shared>>)
        tpu.yield
      }) : () -> ()
    }
    %scan3A_20 = arith.constant 393 : i32
    %barrier3A_21 = arith.constant 0 : index
    tpu.barrier barrier_id(%barrier3A_21)
    %scan3A_22 = arith.constant 0 : i32
    %scan3A_23 = arith.constant 0 : i32
    %scan3A_24 = arith.constant 16 : i32
    %scan3A_25 = arith.addi %scan3A_23, %scan3A_24 : i32
    %scan3A_26 = arith.constant 1 : i32
    scf.for %scan3A_28 = %scan3A_23 to %scan3A_25 step %scan3A_26  : i32 {
      %mul3A_29 = arith.constant 2048 : i32
      %mul3A_30 = arith.muli %arg1, %mul3A_29 : i32
      %mul3A_31 = arith.constant 128 : i32
      %mul3A_32 = arith.muli %scan3A_28, %mul3A_31 : i32
      %add3A_33 = arith.addi %mul3A_30, %mul3A_32 : i32
      "tpu.region"() ({
        %run_scoped3A = tpu.sem_alloc : memref<!tpu.dma_semaphore, #tpu.memory_space<semaphore_mem>>
        %dma_start3A = arith.constant 0 : i32
        %dma_start3A_40 = tpu.memref_slice %arg9[%add3A_33, %dma_start3A] : memref<34816x32xf32, #tpu.memory_space<vmem_shared>> -> memref<128x32xf32, #tpu.memory_space<vmem_shared>>
        %dma_start3A_41 = arith.constant 0 : i32
        %dma_start3A_42 = tpu.memref_slice %arg9[%add3A_33, %dma_start3A_41] : memref<34816x32xf32, #tpu.memory_space<vmem_shared>> -> memref<128x32xf32, #tpu.memory_space<vmem_shared>>
        tpu.enqueue_dma source(%dma_start3A_42 : memref<128x32xf32, #tpu.memory_space<vmem_shared>>) target(%arg6 : memref<128x32xf32, #tpu.memory_space<vmem>>) target_semaphore(%run_scoped3A : memref<!tpu.dma_semaphore, #tpu.memory_space<semaphore_mem>>)
        %dma_wait3A = arith.constant 0 : i32
        %dma_wait3A_43 = tpu.memref_slice %arg9[%add3A_33, %dma_wait3A] : memref<34816x32xf32, #tpu.memory_space<vmem_shared>> -> memref<128x32xf32, #tpu.memory_space<vmem_shared>>
        %dma_wait3A_44 = arith.constant 0 : i32
        %dma_wait3A_45 = tpu.memref_slice %arg9[%add3A_33, %dma_wait3A_44] : memref<34816x32xf32, #tpu.memory_space<vmem_shared>> -> memref<128x32xf32, #tpu.memory_space<vmem_shared>>
        tpu.wait_dma2 semaphore(%run_scoped3A : memref<!tpu.dma_semaphore, #tpu.memory_space<semaphore_mem>>) src(%dma_wait3A_45 : memref<128x32xf32, #tpu.memory_space<vmem_shared>>) dst(%arg6 : memref<128x32xf32, #tpu.memory_space<vmem>>)
        tpu.yield
      }) : () -> ()
      %scan3A_34 = arith.constant 0 : i32
      %scan3A_35 = arith.constant 0 : i32
      %scan3A_36 = arith.constant 128 : i32
      %scan3A_37 = arith.addi %scan3A_35, %scan3A_36 : i32
      %scan3A_38 = arith.constant 1 : i32
      scf.for %scan3A_40 = %scan3A_35 to %scan3A_37 step %scan3A_38  : i32 {
        %get3A = arith.index_cast %scan3A_40 : i32 to index
        %get3A_41 = arith.constant 0 : index
        %get3A_42 = tpu.vector_load %arg6[%get3A, %get3A_41] {strides = array<i32>} : memref<128x32xf32, #tpu.memory_space<vmem>>, vector<16xf32>,
        %swap3A = arith.index_cast %scan3A_40 : i32 to index
        %swap3A_43 = arith.constant 0 : index
        %swap3A_44 = tpu.vector_load %arg8[%swap3A, %swap3A_43] {strides = array<i32>} : memref<128x128xf32, #tpu.memory_space<vmem>>, vector<16xf32>,
        tpu.vector_store %arg8[%swap3A, %swap3A_43], %get3A_42 {strides = array<i32>} : memref<128x128xf32, #tpu.memory_space<vmem>>, vector<16xf32>,
        %get3A_45 = arith.index_cast %scan3A_40 : i32 to index
        %get3A_46 = arith.constant 16 : index
        %get3A_47 = tpu.vector_load %arg6[%get3A_45, %get3A_46] {strides = array<i32>} : memref<128x32xf32, #tpu.memory_space<vmem>>, vector<16xf32>,
        %swap3A_48 = arith.index_cast %scan3A_40 : i32 to index
        %swap3A_49 = arith.constant 16 : index
        %swap3A_50 = tpu.vector_load %arg8[%swap3A_48, %swap3A_49] {strides = array<i32>} : memref<128x128xf32, #tpu.memory_space<vmem>>, vector<16xf32>,
        tpu.vector_store %arg8[%swap3A_48, %swap3A_49], %get3A_47 {strides = array<i32>} : memref<128x128xf32, #tpu.memory_space<vmem>>, vector<16xf32>,
      }
      %scan3A_39 = arith.constant 128 : i32
      "tpu.region"() ({
        %run_scoped3A = tpu.sem_alloc : memref<!tpu.dma_semaphore, #tpu.memory_space<semaphore_mem>>
        %dma_start3A = arith.constant 0 : i32
        %dma_start3A_40 = arith.constant 0 : i32
        %dma_start3A_41 = tpu.memref_slice %arg4[%arg0, %dma_start3A, %dma_start3A_40] : memref<2x32768x128xf32, #tpu.memory_space<hbm>> -> memref<1x32768x128xf32, #tpu.memory_space<hbm>>
        %dma_start3A_42 = tpu.memref_squeeze %dma_start3A_41 : memref<1x32768x128xf32, #tpu.memory_space<hbm>> -> memref<32768x128xf32, #tpu.memory_space<hbm>>
        %dma_start3A_43 = arith.constant 0 : i32
        %dma_start3A_44 = tpu.memref_slice %dma_start3A_42[%add3A_33, %dma_start3A_43] : memref<32768x128xf32, #tpu.memory_space<hbm>> -> memref<128x128xf32, #tpu.memory_space<hbm>>
        %dma_start3A_45 = arith.constant 0 : i32
        %dma_start3A_46 = arith.constant 0 : i32
        %dma_start3A_47 = tpu.memref_slice %arg4[%arg0, %dma_start3A_45, %dma_start3A_46] : memref<2x32768x128xf32, #tpu.memory_space<hbm>> -> memref<1x32768x128xf32, #tpu.memory_space<hbm>>
        %dma_start3A_48 = tpu.memref_squeeze %dma_start3A_47 : memref<1x32768x128xf32, #tpu.memory_space<hbm>> -> memref<32768x128xf32, #tpu.memory_space<hbm>>
        %dma_start3A_49 = arith.constant 0 : i32
        %dma_start3A_50 = tpu.memref_slice %dma_start3A_48[%add3A_33, %dma_start3A_49] : memref<32768x128xf32, #tpu.memory_space<hbm>> -> memref<128x128xf32, #tpu.memory_space<hbm>>
        tpu.enqueue_dma source(%arg8 : memref<128x128xf32, #tpu.memory_space<vmem>>) target(%dma_start3A_50 : memref<128x128xf32, #tpu.memory_space<hbm>>) target_semaphore(%run_scoped3A : memref<!tpu.dma_semaphore, #tpu.memory_space<semaphore_mem>>)
        %dma_wait3A = arith.constant 0 : i32
        %dma_wait3A_51 = arith.constant 0 : i32
        %dma_wait3A_52 = tpu.memref_slice %arg4[%arg0, %dma_wait3A, %dma_wait3A_51] : memref<2x32768x128xf32, #tpu.memory_space<hbm>> -> memref<1x32768x128xf32, #tpu.memory_space<hbm>>
        %dma_wait3A_53 = tpu.memref_squeeze %dma_wait3A_52 : memref<1x32768x128xf32, #tpu.memory_space<hbm>> -> memref<32768x128xf32, #tpu.memory_space<hbm>>
        %dma_wait3A_54 = arith.constant 0 : i32
        %dma_wait3A_55 = tpu.memref_slice %dma_wait3A_53[%add3A_33, %dma_wait3A_54] : memref<32768x128xf32, #tpu.memory_space<hbm>> -> memref<128x128xf32, #tpu.memory_space<hbm>>
        %dma_wait3A_56 = arith.constant 0 : i32
        %dma_wait3A_57 = arith.constant 0 : i32
        %dma_wait3A_58 = tpu.memref_slice %arg4[%arg0, %dma_wait3A_56, %dma_wait3A_57] : memref<2x32768x128xf32, #tpu.memory_space<hbm>> -> memref<1x32768x128xf32, #tpu.memory_space<hbm>>
        %dma_wait3A_59 = tpu.memref_squeeze %dma_wait3A_58 : memref<1x32768x128xf32, #tpu.memory_space<hbm>> -> memref<32768x128xf32, #tpu.memory_space<hbm>>
        %dma_wait3A_60 = arith.constant 0 : i32
        %dma_wait3A_61 = tpu.memref_slice %dma_wait3A_59[%add3A_33, %dma_wait3A_60] : memref<32768x128xf32, #tpu.memory_space<hbm>> -> memref<128x128xf32, #tpu.memory_space<hbm>>
        tpu.wait_dma2 semaphore(%run_scoped3A : memref<!tpu.dma_semaphore, #tpu.memory_space<semaphore_mem>>) src(%arg8 : memref<128x128xf32, #tpu.memory_space<vmem>>) dst(%dma_wait3A_61 : memref<128x128xf32, #tpu.memory_space<hbm>>)
        tpu.yield
      }) : () -> ()
    }
    %scan3A_27 = arith.constant 16 : i32
    return
  }
}

module attributes {stable_mosaic.version = 14 : i64} {
  func.func @_node_x_body(%arg0: i32, %arg1: memref<512x8xf32, #tpu.memory_space<vmem>>, %arg2: memref<8x192xf32, #tpu.memory_space<vmem>>, %arg3: memref<1x192xf32, #tpu.memory_space<vmem>>, %arg4: memref<192x128xf32, #tpu.memory_space<vmem>>, %arg5: memref<512x128xf32, #tpu.memory_space<vmem>>) attributes {dimension_semantics = [#tpu.dimension_semantics<arbitrary>], iteration_bounds = array<i64: 64>, scalar_prefetch = 0 : i64, scratch_operands = 0 : i64, tpu.core_type = #tpu.core_type<tc>, window_params = [{transform_indices = @transform_0, window_bounds = array<i64: 512, 8>}, {pipeline_mode = #tpu.pipeline_mode<synchronous>, transform_indices = @transform_1, window_bounds = array<i64: 8, 192>}, {pipeline_mode = #tpu.pipeline_mode<synchronous>, transform_indices = @transform_2, window_bounds = array<i64: 1, 192>}, {pipeline_mode = #tpu.pipeline_mode<synchronous>, transform_indices = @transform_3, window_bounds = array<i64: 192, 128>}, {transform_indices = @transform_4, window_bounds = array<i64: 512, 128>}]} {
    %get3A = arith.constant 0 : index
    %get3A_0 = arith.constant 0 : index
    %get3A_1 = vector.load %arg1[%get3A, %get3A_0] : memref<512x8xf32, #tpu.memory_space<vmem>>, vector<512x8xf32>
    %get3A_2 = arith.constant 0 : index
    %get3A_3 = arith.constant 0 : index
    %get3A_4 = vector.load %arg2[%get3A_2, %get3A_3] : memref<8x192xf32, #tpu.memory_space<vmem>>, vector<8x192xf32>
    %dot_general3A = arith.constant dense<0.000000e+00> : vector<512x192xf32>
    %dot_general3A_5 = tpu.matmul %get3A_1, %get3A_4, %dot_general3A {dimension_numbers = #tpu.dot_dimension_numbers<[1], [0], [0], [1], [0, 0, 1, 1], [], []>, transpose_lhs_hint = false} : vector<512x8xf32>, vector<8x192xf32>, vector<512x192xf32> -> vector<512x192xf32>
    %get3A_6 = arith.constant 0 : index
    %get3A_7 = arith.constant 0 : index
    %get3A_8 = vector.load %arg3[%get3A_6, %get3A_7] : memref<1x192xf32, #tpu.memory_space<vmem>>, vector<1x192xf32>
    %add3A = vector.broadcast %get3A_8 : vector<1x192xf32> to vector<512x192xf32>
    %add3A_9 = arith.addf %dot_general3A_5, %add3A : vector<512x192xf32>
    %sin3A = math.sin %add3A_9 : vector<512x192xf32>
    %get3A_10 = arith.constant 0 : index
    %get3A_11 = arith.constant 0 : index
    %get3A_12 = vector.load %arg4[%get3A_10, %get3A_11] : memref<192x128xf32, #tpu.memory_space<vmem>>, vector<192x128xf32>
    %dot_general3A_13 = arith.constant dense<0.000000e+00> : vector<512x128xf32>
    %dot_general3A_14 = tpu.matmul %sin3A, %get3A_12, %dot_general3A_13 {dimension_numbers = #tpu.dot_dimension_numbers<[1], [0], [0], [1], [0, 0, 1, 1], [], []>, transpose_lhs_hint = false} : vector<512x192xf32>, vector<192x128xf32>, vector<512x128xf32> -> vector<512x128xf32>
    %swap3A = arith.constant 0 : index
    %swap3A_15 = arith.constant 0 : index
    %swap3A_16 = vector.load %arg5[%swap3A, %swap3A_15] : memref<512x128xf32, #tpu.memory_space<vmem>>, vector<512x128xf32>
    tpu.vector_store %arg5[%swap3A, %swap3A_15], %dot_general3A_14 {strides = array<i32>} : memref<512x128xf32, #tpu.memory_space<vmem>>, vector<512x128xf32>,
    return
  }
  func.func @transform_0(%arg0: i32) -> (i32, i32) {
    %c0_i32 = arith.constant 0 : i32
    %c0_i32_0 = arith.constant 0 : i32
    return %arg0, %c0_i32 : i32, i32
  }
  func.func @transform_1(%arg0: i32) -> (i32, i32) {
    %c0_i32 = arith.constant 0 : i32
    %c0_i32_0 = arith.constant 0 : i32
    %c0_i32_1 = arith.constant 0 : i32
    return %c0_i32, %c0_i32_0 : i32, i32
  }
  func.func @transform_2(%arg0: i32) -> (i32, i32) {
    %c0_i32 = arith.constant 0 : i32
    %c0_i32_0 = arith.constant 0 : i32
    %c0_i32_1 = arith.constant 0 : i32
    return %c0_i32, %c0_i32_0 : i32, i32
  }
  func.func @transform_3(%arg0: i32) -> (i32, i32) {
    %c0_i32 = arith.constant 0 : i32
    %c0_i32_0 = arith.constant 0 : i32
    %c0_i32_1 = arith.constant 0 : i32
    return %c0_i32, %c0_i32_0 : i32, i32
  }
  func.func @transform_4(%arg0: i32) -> (i32, i32) {
    %c0_i32 = arith.constant 0 : i32
    %c0_i32_0 = arith.constant 0 : i32
    return %arg0, %c0_i32 : i32, i32
  }
}

module attributes {stable_mosaic.version = 14 : i64} {
  func.func @_node_y_body(%arg0: i32, %arg1: memref<400x8xf32, #tpu.memory_space<vmem>>, %arg2: memref<400x32xf32, #tpu.memory_space<vmem>>, %arg3: memref<8x192xf32, #tpu.memory_space<vmem>>, %arg4: memref<1x192xf32, #tpu.memory_space<vmem>>, %arg5: memref<192x128xf32, #tpu.memory_space<vmem>>, %arg6: memref<1x128xf32, #tpu.memory_space<vmem>>, %arg7: memref<400x128xf32, #tpu.memory_space<vmem>>) attributes {dimension_semantics = [#tpu.dimension_semantics<arbitrary>], iteration_bounds = array<i64: 250>, scalar_prefetch = 0 : i64, scratch_operands = 0 : i64, tpu.core_type = #tpu.core_type<tc>, window_params = [{transform_indices = @transform_0, window_bounds = array<i64: 400, 8>}, {transform_indices = @transform_1, window_bounds = array<i64: 400, 32>}, {pipeline_mode = #tpu.pipeline_mode<synchronous>, transform_indices = @transform_2, window_bounds = array<i64: 8, 192>}, {pipeline_mode = #tpu.pipeline_mode<synchronous>, transform_indices = @transform_3, window_bounds = array<i64: 1, 192>}, {pipeline_mode = #tpu.pipeline_mode<synchronous>, transform_indices = @transform_4, window_bounds = array<i64: 192, 128>}, {pipeline_mode = #tpu.pipeline_mode<synchronous>, transform_indices = @transform_5, window_bounds = array<i64: 1, 128>}, {transform_indices = @transform_6, window_bounds = array<i64: 400, 128>}]} {
    %get3A = arith.constant 0 : index
    %get3A_0 = arith.constant 0 : index
    %get3A_1 = vector.load %arg1[%get3A, %get3A_0] : memref<400x8xf32, #tpu.memory_space<vmem>>, vector<400x8xf32>
    %get3A_2 = arith.constant 0 : index
    %get3A_3 = arith.constant 0 : index
    %get3A_4 = vector.load %arg3[%get3A_2, %get3A_3] : memref<8x192xf32, #tpu.memory_space<vmem>>, vector<8x192xf32>
    %dot_general3A = arith.constant dense<0.000000e+00> : vector<400x192xf32>
    %dot_general3A_5 = tpu.matmul %get3A_1, %get3A_4, %dot_general3A {dimension_numbers = #tpu.dot_dimension_numbers<[1], [0], [0], [1], [0, 0, 1, 1], [], []>, transpose_lhs_hint = false} : vector<400x8xf32>, vector<8x192xf32>, vector<400x192xf32> -> vector<400x192xf32>
    %get3A_6 = arith.constant 0 : index
    %get3A_7 = arith.constant 0 : index
    %get3A_8 = vector.load %arg4[%get3A_6, %get3A_7] : memref<1x192xf32, #tpu.memory_space<vmem>>, vector<1x192xf32>
    %add3A = vector.broadcast %get3A_8 : vector<1x192xf32> to vector<400x192xf32>
    %add3A_9 = arith.addf %dot_general3A_5, %add3A : vector<400x192xf32>
    %sin3A = math.sin %add3A_9 : vector<400x192xf32>
    %get3A_10 = arith.constant 0 : index
    %get3A_11 = arith.constant 0 : index
    %get3A_12 = vector.load %arg5[%get3A_10, %get3A_11] : memref<192x128xf32, #tpu.memory_space<vmem>>, vector<192x128xf32>
    %dot_general3A_13 = arith.constant dense<0.000000e+00> : vector<400x128xf32>
    %dot_general3A_14 = tpu.matmul %sin3A, %get3A_12, %dot_general3A_13 {dimension_numbers = #tpu.dot_dimension_numbers<[1], [0], [0], [1], [0, 0, 1, 1], [], []>, transpose_lhs_hint = false} : vector<400x192xf32>, vector<192x128xf32>, vector<400x128xf32> -> vector<400x128xf32>
    %get3A_15 = arith.constant 0 : index
    %get3A_16 = arith.constant 0 : index
    %get3A_17 = vector.load %arg6[%get3A_15, %get3A_16] : memref<1x128xf32, #tpu.memory_space<vmem>>, vector<1x128xf32>
    %add3A_18 = vector.broadcast %get3A_17 : vector<1x128xf32> to vector<400x128xf32>
    %add3A_19 = arith.addf %dot_general3A_14, %add3A_18 : vector<400x128xf32>
    %slice3A = vector.extract_strided_slice %add3A_19 {offsets = [0, 0], sizes = [400, 64], strides = [1, 1]} : vector<400x128xf32> to vector<400x64xf32>
    %slice3A_20 = vector.extract_strided_slice %add3A_19 {offsets = [0, 64], sizes = [400, 64], strides = [1, 1]} : vector<400x128xf32> to vector<400x64xf32>
    %convert_element_type3A = arith.truncf %slice3A : vector<400x64xf32> to vector<400x64xbf16>
    %convert_element_type3A_21 = arith.extf %convert_element_type3A : vector<400x64xbf16> to vector<400x64xf32>
    %bitcast_convert_type3A = tpu.bitcast %convert_element_type3A_21 : vector<400x64xf32> -> vector<400x64xi32>
    %convert_element_type3A_22 = arith.truncf %slice3A_20 : vector<400x64xf32> to vector<400x64xbf16>
    %convert_element_type3A_23 = arith.extf %convert_element_type3A_22 : vector<400x64xbf16> to vector<400x64xf32>
    %bitcast_convert_type3A_24 = tpu.bitcast %convert_element_type3A_23 : vector<400x64xf32> -> vector<400x64xi32>
    %shift_right_logical3A = arith.constant 16 : i32
    %shift_right_logical3A_25 = vector.broadcast %shift_right_logical3A : i32 to vector<400x64xi32>
    %shift_right_logical3A_26 = arith.shrui %bitcast_convert_type3A_24, %shift_right_logical3A_25 : vector<400x64xi32>
    %or3A = arith.ori %bitcast_convert_type3A, %shift_right_logical3A_26 : vector<400x64xi32>
    %bitcast_convert_type3A_27 = tpu.bitcast %or3A : vector<400x64xi32> -> vector<400x64xf32>
    %swap3A = arith.constant 0 : index
    %swap3A_28 = arith.constant 0 : index
    %swap3A_29 = vector.load %arg7[%swap3A, %swap3A_28] : memref<400x128xf32, #tpu.memory_space<vmem>>, vector<400x64xf32>
    tpu.vector_store %arg7[%swap3A, %swap3A_28], %bitcast_convert_type3A_27 {strides = array<i32>} : memref<400x128xf32, #tpu.memory_space<vmem>>, vector<400x64xf32>,
    %get3A_30 = arith.constant 0 : index
    %get3A_31 = arith.constant 0 : index
    %get3A_32 = vector.load %arg2[%get3A_30, %get3A_31] : memref<400x32xf32, #tpu.memory_space<vmem>>, vector<400x32xf32>
    %swap3A_33 = arith.constant 0 : index
    %swap3A_34 = arith.constant 64 : index
    %swap3A_35 = vector.load %arg7[%swap3A_33, %swap3A_34] : memref<400x128xf32, #tpu.memory_space<vmem>>, vector<400x32xf32>
    tpu.vector_store %arg7[%swap3A_33, %swap3A_34], %get3A_32 {strides = array<i32>} : memref<400x128xf32, #tpu.memory_space<vmem>>, vector<400x32xf32>,
    %broadcast_in_dim3A = arith.constant 0.000000e+00 : f32
    %broadcast_in_dim3A_36 = vector.broadcast %broadcast_in_dim3A : f32 to vector<400x32xf32>
    %swap3A_37 = arith.constant 0 : index
    %swap3A_38 = arith.constant 96 : index
    %swap3A_39 = vector.load %arg7[%swap3A_37, %swap3A_38] : memref<400x128xf32, #tpu.memory_space<vmem>>, vector<400x32xf32>
    tpu.vector_store %arg7[%swap3A_37, %swap3A_38], %broadcast_in_dim3A_36 {strides = array<i32>} : memref<400x128xf32, #tpu.memory_space<vmem>>, vector<400x32xf32>,
    return
  }
  func.func @transform_0(%arg0: i32) -> (i32, i32) {
    %c0_i32 = arith.constant 0 : i32
    %c0_i32_0 = arith.constant 0 : i32
    return %arg0, %c0_i32 : i32, i32
  }
  func.func @transform_1(%arg0: i32) -> (i32, i32) {
    %c0_i32 = arith.constant 0 : i32
    %c0_i32_0 = arith.constant 0 : i32
    return %arg0, %c0_i32 : i32, i32
  }
  func.func @transform_2(%arg0: i32) -> (i32, i32) {
    %c0_i32 = arith.constant 0 : i32
    %c0_i32_0 = arith.constant 0 : i32
    %c0_i32_1 = arith.constant 0 : i32
    return %c0_i32, %c0_i32_0 : i32, i32
  }
  func.func @transform_3(%arg0: i32) -> (i32, i32) {
    %c0_i32 = arith.constant 0 : i32
    %c0_i32_0 = arith.constant 0 : i32
    %c0_i32_1 = arith.constant 0 : i32
    return %c0_i32, %c0_i32_0 : i32, i32
  }
  func.func @transform_4(%arg0: i32) -> (i32, i32) {
    %c0_i32 = arith.constant 0 : i32
    %c0_i32_0 = arith.constant 0 : i32
    %c0_i32_1 = arith.constant 0 : i32
    return %c0_i32, %c0_i32_0 : i32, i32
  }
  func.func @transform_5(%arg0: i32) -> (i32, i32) {
    %c0_i32 = arith.constant 0 : i32
    %c0_i32_0 = arith.constant 0 : i32
    %c0_i32_1 = arith.constant 0 : i32
    return %c0_i32, %c0_i32_0 : i32, i32
  }
  func.func @transform_6(%arg0: i32) -> (i32, i32) {
    %c0_i32 = arith.constant 0 : i32
    %c0_i32_0 = arith.constant 0 : i32
    return %arg0, %c0_i32 : i32, i32
  }
}

module attributes {stable_mosaic.version = 14 : i64} {
  func.func @_mlp_body(%arg0: i32, %arg1: memref<2048x128xf32, #tpu.memory_space<vmem>>, %arg2: memref<128x256xf32, #tpu.memory_space<vmem>>, %arg3: memref<1x256xf32, #tpu.memory_space<vmem>>, %arg4: memref<256x128xf32, #tpu.memory_space<vmem>>, %arg5: memref<1x128xf32, #tpu.memory_space<vmem>>, %arg6: memref<128x32xf32, #tpu.memory_space<vmem>>, %arg7: memref<1x32xf32, #tpu.memory_space<vmem>>, %arg8: memref<2048x32xf32, #tpu.memory_space<vmem>>) attributes {dimension_semantics = [#tpu.dimension_semantics<arbitrary>], iteration_bounds = array<i64: 786>, scalar_prefetch = 0 : i64, scratch_operands = 0 : i64, tpu.core_type = #tpu.core_type<tc>, window_params = [{transform_indices = @transform_0, window_bounds = array<i64: 2048, 128>}, {pipeline_mode = #tpu.pipeline_mode<synchronous>, transform_indices = @transform_1, window_bounds = array<i64: 128, 256>}, {pipeline_mode = #tpu.pipeline_mode<synchronous>, transform_indices = @transform_2, window_bounds = array<i64: 1, 256>}, {pipeline_mode = #tpu.pipeline_mode<synchronous>, transform_indices = @transform_3, window_bounds = array<i64: 256, 128>}, {pipeline_mode = #tpu.pipeline_mode<synchronous>, transform_indices = @transform_4, window_bounds = array<i64: 1, 128>}, {pipeline_mode = #tpu.pipeline_mode<synchronous>, transform_indices = @transform_5, window_bounds = array<i64: 128, 32>}, {pipeline_mode = #tpu.pipeline_mode<synchronous>, transform_indices = @transform_6, window_bounds = array<i64: 1, 32>}, {transform_indices = @transform_7, window_bounds = array<i64: 2048, 32>}]} {
    %get3A = arith.constant 0 : index
    %get3A_0 = arith.constant 0 : index
    %get3A_1 = vector.load %arg1[%get3A, %get3A_0] : memref<2048x128xf32, #tpu.memory_space<vmem>>, vector<2048x64xf32>
    %bitcast_convert_type3A = tpu.bitcast %get3A_1 : vector<2048x64xf32> -> vector<2048x64xi32>
    %and3A = arith.constant -65536 : i32
    %and3A_2 = vector.broadcast %and3A : i32 to vector<2048x64xi32>
    %and3A_3 = arith.andi %bitcast_convert_type3A, %and3A_2 : vector<2048x64xi32>
    %bitcast_convert_type3A_4 = tpu.bitcast %and3A_3 : vector<2048x64xi32> -> vector<2048x64xf32>
    %shift_left3A = arith.constant 16 : i32
    %shift_left3A_5 = vector.broadcast %shift_left3A : i32 to vector<2048x64xi32>
    %shift_left3A_6 = arith.shli %bitcast_convert_type3A, %shift_left3A_5 : vector<2048x64xi32>
    %bitcast_convert_type3A_7 = tpu.bitcast %shift_left3A_6 : vector<2048x64xi32> -> vector<2048x64xf32>
    %convert_element_type3A = arith.truncf %bitcast_convert_type3A_4 : vector<2048x64xf32> to vector<2048x64xbf16>
    %mul3A = arith.mulf %convert_element_type3A, %convert_element_type3A : vector<2048x64xbf16>
    %mul3A_8 = arith.constant 3.564450e-02 : bf16
    %mul3A_9 = vector.broadcast %mul3A_8 : bf16 to vector<2048x64xbf16>
    %mul3A_10 = arith.mulf %mul3A_9, %mul3A : vector<2048x64xbf16>
    %add3A = arith.constant 7.968750e-01 : bf16
    %add3A_11 = vector.broadcast %add3A : bf16 to vector<2048x64xbf16>
    %add3A_12 = arith.addf %add3A_11, %mul3A_10 : vector<2048x64xbf16>
    %mul3A_13 = arith.mulf %convert_element_type3A, %add3A_12 : vector<2048x64xbf16>
    %tanh3A = math.tanh %mul3A_13 : vector<2048x64xbf16>
    %mul3A_14 = arith.constant 5.000000e-01 : bf16
    %mul3A_15 = vector.broadcast %mul3A_14 : bf16 to vector<2048x64xbf16>
    %mul3A_16 = arith.mulf %mul3A_15, %convert_element_type3A : vector<2048x64xbf16>
    %add3A_17 = arith.constant 1.000000e+00 : bf16
    %add3A_18 = vector.broadcast %add3A_17 : bf16 to vector<2048x64xbf16>
    %add3A_19 = arith.addf %add3A_18, %tanh3A : vector<2048x64xbf16>
    %mul3A_20 = arith.mulf %mul3A_16, %add3A_19 : vector<2048x64xbf16>
    %convert_element_type3A_21 = arith.truncf %bitcast_convert_type3A_7 : vector<2048x64xf32> to vector<2048x64xbf16>
    %mul3A_22 = arith.mulf %convert_element_type3A_21, %convert_element_type3A_21 : vector<2048x64xbf16>
    %mul3A_23 = arith.constant 3.564450e-02 : bf16
    %mul3A_24 = vector.broadcast %mul3A_23 : bf16 to vector<2048x64xbf16>
    %mul3A_25 = arith.mulf %mul3A_24, %mul3A_22 : vector<2048x64xbf16>
    %add3A_26 = arith.constant 7.968750e-01 : bf16
    %add3A_27 = vector.broadcast %add3A_26 : bf16 to vector<2048x64xbf16>
    %add3A_28 = arith.addf %add3A_27, %mul3A_25 : vector<2048x64xbf16>
    %mul3A_29 = arith.mulf %convert_element_type3A_21, %add3A_28 : vector<2048x64xbf16>
    %tanh3A_30 = math.tanh %mul3A_29 : vector<2048x64xbf16>
    %mul3A_31 = arith.constant 5.000000e-01 : bf16
    %mul3A_32 = vector.broadcast %mul3A_31 : bf16 to vector<2048x64xbf16>
    %mul3A_33 = arith.mulf %mul3A_32, %convert_element_type3A_21 : vector<2048x64xbf16>
    %add3A_34 = arith.constant 1.000000e+00 : bf16
    %add3A_35 = vector.broadcast %add3A_34 : bf16 to vector<2048x64xbf16>
    %add3A_36 = arith.addf %add3A_35, %tanh3A_30 : vector<2048x64xbf16>
    %mul3A_37 = arith.mulf %mul3A_33, %add3A_36 : vector<2048x64xbf16>
    %get3A_38 = arith.constant 0 : index
    %get3A_39 = arith.constant 0 : index
    %get3A_40 = vector.load %arg2[%get3A_38, %get3A_39] : memref<128x256xf32, #tpu.memory_space<vmem>>, vector<64x256xf32>
    %convert_element_type3A_41 = arith.truncf %get3A_40 : vector<64x256xf32> to vector<64x256xbf16>
    %dot_general3A = arith.constant dense<0.000000e+00> : vector<2048x256xf32>
    %dot_general3A_42 = tpu.matmul %mul3A_20, %convert_element_type3A_41, %dot_general3A {dimension_numbers = #tpu.dot_dimension_numbers<[1], [0], [0], [1], [0, 0, 1, 1], [], []>, transpose_lhs_hint = false} : vector<2048x64xbf16>, vector<64x256xbf16>, vector<2048x256xf32> -> vector<2048x256xf32>
    %get3A_43 = arith.constant 64 : index
    %get3A_44 = arith.constant 0 : index
    %get3A_45 = vector.load %arg2[%get3A_43, %get3A_44] : memref<128x256xf32, #tpu.memory_space<vmem>>, vector<64x256xf32>
    %convert_element_type3A_46 = arith.truncf %get3A_45 : vector<64x256xf32> to vector<64x256xbf16>
    %dot_general3A_47 = arith.constant dense<0.000000e+00> : vector<2048x256xf32>
    %dot_general3A_48 = tpu.matmul %mul3A_37, %convert_element_type3A_46, %dot_general3A_47 {dimension_numbers = #tpu.dot_dimension_numbers<[1], [0], [0], [1], [0, 0, 1, 1], [], []>, transpose_lhs_hint = false} : vector<2048x64xbf16>, vector<64x256xbf16>, vector<2048x256xf32> -> vector<2048x256xf32>
    %add3A_49 = arith.addf %dot_general3A_42, %dot_general3A_48 : vector<2048x256xf32>
    %get3A_50 = arith.constant 0 : index
    %get3A_51 = arith.constant 0 : index
    %get3A_52 = vector.load %arg3[%get3A_50, %get3A_51] : memref<1x256xf32, #tpu.memory_space<vmem>>, vector<1x256xf32>
    %add3A_53 = vector.broadcast %get3A_52 : vector<1x256xf32> to vector<2048x256xf32>
    %add3A_54 = arith.addf %add3A_49, %add3A_53 : vector<2048x256xf32>
    %convert_element_type3A_55 = arith.truncf %add3A_54 : vector<2048x256xf32> to vector<2048x256xbf16>
    %mul3A_56 = arith.mulf %convert_element_type3A_55, %convert_element_type3A_55 : vector<2048x256xbf16>
    %mul3A_57 = arith.constant 3.564450e-02 : bf16
    %mul3A_58 = vector.broadcast %mul3A_57 : bf16 to vector<2048x256xbf16>
    %mul3A_59 = arith.mulf %mul3A_58, %mul3A_56 : vector<2048x256xbf16>
    %add3A_60 = arith.constant 7.968750e-01 : bf16
    %add3A_61 = vector.broadcast %add3A_60 : bf16 to vector<2048x256xbf16>
    %add3A_62 = arith.addf %add3A_61, %mul3A_59 : vector<2048x256xbf16>
    %mul3A_63 = arith.mulf %convert_element_type3A_55, %add3A_62 : vector<2048x256xbf16>
    %tanh3A_64 = math.tanh %mul3A_63 : vector<2048x256xbf16>
    %mul3A_65 = arith.constant 5.000000e-01 : bf16
    %mul3A_66 = vector.broadcast %mul3A_65 : bf16 to vector<2048x256xbf16>
    %mul3A_67 = arith.mulf %mul3A_66, %convert_element_type3A_55 : vector<2048x256xbf16>
    %add3A_68 = arith.constant 1.000000e+00 : bf16
    %add3A_69 = vector.broadcast %add3A_68 : bf16 to vector<2048x256xbf16>
    %add3A_70 = arith.addf %add3A_69, %tanh3A_64 : vector<2048x256xbf16>
    %mul3A_71 = arith.mulf %mul3A_67, %add3A_70 : vector<2048x256xbf16>
    %get3A_72 = arith.constant 0 : index
    %get3A_73 = arith.constant 0 : index
    %get3A_74 = vector.load %arg4[%get3A_72, %get3A_73] : memref<256x128xf32, #tpu.memory_space<vmem>>, vector<256x128xf32>
    %convert_element_type3A_75 = arith.truncf %get3A_74 : vector<256x128xf32> to vector<256x128xbf16>
    %dot_general3A_76 = arith.constant dense<0.000000e+00> : vector<2048x128xf32>
    %dot_general3A_77 = tpu.matmul %mul3A_71, %convert_element_type3A_75, %dot_general3A_76 {dimension_numbers = #tpu.dot_dimension_numbers<[1], [0], [0], [1], [0, 0, 1, 1], [], []>, transpose_lhs_hint = false} : vector<2048x256xbf16>, vector<256x128xbf16>, vector<2048x128xf32> -> vector<2048x128xf32>
    %get3A_78 = arith.constant 0 : index
    %get3A_79 = arith.constant 0 : index
    %get3A_80 = vector.load %arg5[%get3A_78, %get3A_79] : memref<1x128xf32, #tpu.memory_space<vmem>>, vector<1x128xf32>
    %add3A_81 = vector.broadcast %get3A_80 : vector<1x128xf32> to vector<2048x128xf32>
    %add3A_82 = arith.addf %dot_general3A_77, %add3A_81 : vector<2048x128xf32>
    %convert_element_type3A_83 = arith.truncf %add3A_82 : vector<2048x128xf32> to vector<2048x128xbf16>
    %mul3A_84 = arith.mulf %convert_element_type3A_83, %convert_element_type3A_83 : vector<2048x128xbf16>
    %mul3A_85 = arith.constant 3.564450e-02 : bf16
    %mul3A_86 = vector.broadcast %mul3A_85 : bf16 to vector<2048x128xbf16>
    %mul3A_87 = arith.mulf %mul3A_86, %mul3A_84 : vector<2048x128xbf16>
    %add3A_88 = arith.constant 7.968750e-01 : bf16
    %add3A_89 = vector.broadcast %add3A_88 : bf16 to vector<2048x128xbf16>
    %add3A_90 = arith.addf %add3A_89, %mul3A_87 : vector<2048x128xbf16>
    %mul3A_91 = arith.mulf %convert_element_type3A_83, %add3A_90 : vector<2048x128xbf16>
    %tanh3A_92 = math.tanh %mul3A_91 : vector<2048x128xbf16>
    %mul3A_93 = arith.constant 5.000000e-01 : bf16
    %mul3A_94 = vector.broadcast %mul3A_93 : bf16 to vector<2048x128xbf16>
    %mul3A_95 = arith.mulf %mul3A_94, %convert_element_type3A_83 : vector<2048x128xbf16>
    %add3A_96 = arith.constant 1.000000e+00 : bf16
    %add3A_97 = vector.broadcast %add3A_96 : bf16 to vector<2048x128xbf16>
    %add3A_98 = arith.addf %add3A_97, %tanh3A_92 : vector<2048x128xbf16>
    %mul3A_99 = arith.mulf %mul3A_95, %add3A_98 : vector<2048x128xbf16>
    %get3A_100 = arith.constant 0 : index
    %get3A_101 = arith.constant 0 : index
    %get3A_102 = vector.load %arg6[%get3A_100, %get3A_101] : memref<128x32xf32, #tpu.memory_space<vmem>>, vector<128x32xf32>
    %convert_element_type3A_103 = arith.truncf %get3A_102 : vector<128x32xf32> to vector<128x32xbf16>
    %dot_general3A_104 = arith.constant dense<0.000000e+00> : vector<2048x32xf32>
    %dot_general3A_105 = tpu.matmul %mul3A_99, %convert_element_type3A_103, %dot_general3A_104 {dimension_numbers = #tpu.dot_dimension_numbers<[1], [0], [0], [1], [0, 0, 1, 1], [], []>, transpose_lhs_hint = false} : vector<2048x128xbf16>, vector<128x32xbf16>, vector<2048x32xf32> -> vector<2048x32xf32>
    %get3A_106 = arith.constant 0 : index
    %get3A_107 = arith.constant 0 : index
    %get3A_108 = vector.load %arg7[%get3A_106, %get3A_107] : memref<1x32xf32, #tpu.memory_space<vmem>>, vector<1x32xf32>
    %add3A_109 = vector.broadcast %get3A_108 : vector<1x32xf32> to vector<2048x32xf32>
    %add3A_110 = arith.addf %dot_general3A_105, %add3A_109 : vector<2048x32xf32>
    %get3A_111 = arith.constant 0 : index
    %get3A_112 = arith.constant 64 : index
    %get3A_113 = vector.load %arg1[%get3A_111, %get3A_112] : memref<2048x128xf32, #tpu.memory_space<vmem>>, vector<2048x32xf32>
    %mul3A_114 = arith.mulf %add3A_110, %get3A_113 : vector<2048x32xf32>
    %swap3A = arith.constant 0 : index
    %swap3A_115 = arith.constant 0 : index
    %swap3A_116 = vector.load %arg8[%swap3A, %swap3A_115] : memref<2048x32xf32, #tpu.memory_space<vmem>>, vector<2048x32xf32>
    tpu.vector_store %arg8[%swap3A, %swap3A_115], %mul3A_114 {strides = array<i32>} : memref<2048x32xf32, #tpu.memory_space<vmem>>, vector<2048x32xf32>,
    return
  }
  func.func @transform_0(%arg0: i32) -> (i32, i32) {
    %c0_i32 = arith.constant 0 : i32
    %c0_i32_0 = arith.constant 0 : i32
    return %arg0, %c0_i32 : i32, i32
  }
  func.func @transform_1(%arg0: i32) -> (i32, i32) {
    %c0_i32 = arith.constant 0 : i32
    %c0_i32_0 = arith.constant 0 : i32
    %c0_i32_1 = arith.constant 0 : i32
    return %c0_i32, %c0_i32_0 : i32, i32
  }
  func.func @transform_2(%arg0: i32) -> (i32, i32) {
    %c0_i32 = arith.constant 0 : i32
    %c0_i32_0 = arith.constant 0 : i32
    %c0_i32_1 = arith.constant 0 : i32
    return %c0_i32, %c0_i32_0 : i32, i32
  }
  func.func @transform_3(%arg0: i32) -> (i32, i32) {
    %c0_i32 = arith.constant 0 : i32
    %c0_i32_0 = arith.constant 0 : i32
    %c0_i32_1 = arith.constant 0 : i32
    return %c0_i32, %c0_i32_0 : i32, i32
  }
  func.func @transform_4(%arg0: i32) -> (i32, i32) {
    %c0_i32 = arith.constant 0 : i32
    %c0_i32_0 = arith.constant 0 : i32
    %c0_i32_1 = arith.constant 0 : i32
    return %c0_i32, %c0_i32_0 : i32, i32
  }
  func.func @transform_5(%arg0: i32) -> (i32, i32) {
    %c0_i32 = arith.constant 0 : i32
    %c0_i32_0 = arith.constant 0 : i32
    %c0_i32_1 = arith.constant 0 : i32
    return %c0_i32, %c0_i32_0 : i32, i32
  }
  func.func @transform_6(%arg0: i32) -> (i32, i32) {
    %c0_i32 = arith.constant 0 : i32
    %c0_i32_0 = arith.constant 0 : i32
    %c0_i32_1 = arith.constant 0 : i32
    return %c0_i32, %c0_i32_0 : i32, i32
  }
  func.func @transform_7(%arg0: i32) -> (i32, i32) {
    %c0_i32 = arith.constant 0 : i32
    %c0_i32_0 = arith.constant 0 : i32
    return %arg0, %c0_i32 : i32, i32
  }
}

module attributes {stable_mosaic.version = 14 : i64} {
  func.func @_combine_body(%arg0: i32, %arg1: memref<2x512x128xf32, #tpu.memory_space<vmem>>, %arg2: memref<512x32xf32, #tpu.memory_space<vmem>>) attributes {dimension_semantics = [#tpu.dimension_semantics<arbitrary>], iteration_bounds = array<i64: 64>, scalar_prefetch = 0 : i64, scratch_operands = 0 : i64, tpu.core_type = #tpu.core_type<tc>, window_params = [{transform_indices = @transform_0, window_bounds = array<i64: 2, 512, 128>}, {transform_indices = @transform_1, window_bounds = array<i64: 512, 32>}]} {
    %get3A = arith.constant 0 : index
    %get3A_0 = arith.constant 0 : index
    %get3A_1 = arith.constant 0 : index
    %get3A_2 = vector.load %arg1[%get3A, %get3A_0, %get3A_1] : memref<2x512x128xf32, #tpu.memory_space<vmem>>, vector<1x512x32xf32>
    %get3A_3 = vector.shape_cast %get3A_2 : vector<1x512x32xf32> to vector<512x32xf32>
    %get3A_4 = arith.constant 1 : index
    %get3A_5 = arith.constant 0 : index
    %get3A_6 = arith.constant 0 : index
    %get3A_7 = vector.load %arg1[%get3A_4, %get3A_5, %get3A_6] : memref<2x512x128xf32, #tpu.memory_space<vmem>>, vector<1x512x32xf32>
    %get3A_8 = vector.shape_cast %get3A_7 : vector<1x512x32xf32> to vector<512x32xf32>
    %add3A = arith.addf %get3A_3, %get3A_8 : vector<512x32xf32>
    %swap3A = arith.constant 0 : index
    %swap3A_9 = arith.constant 0 : index
    %swap3A_10 = vector.load %arg2[%swap3A, %swap3A_9] : memref<512x32xf32, #tpu.memory_space<vmem>>, vector<512x32xf32>
    tpu.vector_store %arg2[%swap3A, %swap3A_9], %add3A {strides = array<i32>} : memref<512x32xf32, #tpu.memory_space<vmem>>, vector<512x32xf32>,
    return
  }
  func.func @transform_0(%arg0: i32) -> (i32, i32, i32) {
    %c0_i32 = arith.constant 0 : i32
    %c0_i32_0 = arith.constant 0 : i32
    %c0_i32_1 = arith.constant 0 : i32
    return %c0_i32, %arg0, %c0_i32_0 : i32, i32, i32
  }
  func.func @transform_1(%arg0: i32) -> (i32, i32) {
    %c0_i32 = arith.constant 0 : i32
    %c0_i32_0 = arith.constant 0 : i32
    return %arg0, %c0_i32 : i32, i32
  }
}

</mosaic_0001>

<sc_bundles>
// kernel: kernel.11.cloned.1.call-start
scs
__scs_entry_jumppad:
0x0: {  	(pc) =	sbr.rel $0x88, $3  }
0x1: {  	(tag) =	ssettag $0x0;
	lr =	simm.s32 $0x1  }
0x2: {  	[smem:$0x3F94] =	sst lr;
	_ =	strace $0xD0000000  }
0x3: {  	_ = 	snop  }
0x4: {  	_ = 	snop  }
0x5: {  	_ = 	snop  }
0x6: {  	_ = 	snop  }
0x7: {  	_ = 	snop  }
__scs_overlays_trampoline_lowered:
0x8: {  	[smem:$0x3FA3] =	sst s0  }
0x9: {  	[smem:$0x3FA4] =	sst s1  }
0xa: {  	[smem:$0x3FA5] =	sst s2  }
0xb: {  	[smem:$0x3FA6] =	sst s3  }
0xc: {  	[smem:$0x3FA7] =	sst s4  }
0xd: {  	[smem:$0x3FA8] =	sst s5  }
0xe: {  	[smem:$0x3FA9] =	sst s6  }
0xf: {  	[smem:$0x3FAA] =	sst s7  }
0x10: {  	[smem:$0x3FAB] =	sst s8  }
0x11: {  	[smem:$0x3FAC] =	sst s9;
	s0 =	simm.s32 @!p0 $0x0  }
0x12: {  	s1 =	sld [smem:$0x3F92];
	s0 =	simm.s32 @p0 $0x1  }
0x13: {  	[smem:$0x3FAD] =	sst s0;
	s0 =	simm.s32 @!p1 $0x0  }
0x14: {  	s2 =	sld [smem:$0x3F91];
	s0 =	simm.s32 @p1 $0x1  }
0x15: {  	[smem:$0x3FAE] =	sst s0;
	s0 =	simm.s32 @!p2 $0x0  }
0x16: {  	s3 =	sld [smem:$0x3FDB];
	s0 =	simm.s32 @p2 $0x1  }
0x17: {  	s4 =	simm.s32 $0x1BF5;
	[smem:$0x3FB0] =	sst s0  }
0x18: {  	s0 =	sld [smem:$0x3F93];
	_ =	swait.ge [sflag:s4], $0x0  }
0x19: {  	s7 =	sld [smem:$0x3F94]  }
0x1a: {  	s8 =	sadd.s32 $0xFFFFE003, lr  }
0x1b: {  	s9 =	sadd.s32 $0xFFFFFEF7, lr;
	s5 =	simm.s32 $0xFFFFFFFF;
	p2 =	slt.u32 s8, $0xFFFFF086  }
0x1c: {  	p1 =	slt.u32 s9, $0xF7A;
	s5 =	simm.s32 @!p2 $0x0  }
0x1d: {  	s5 =	simm.s32 @p1 $0x1;
	p0 =	seq.s32 s7, s2  }
0x1e: {  	s7 =	smul.u32 @!p0 $0xF7A, s2;
	p2 =	seq.s32 @!p0 s5, $0x0  }
0x1f: {  	s9 =	smul.u32 $0xF7A, s1;
	s8 =	simm.s32 @!p0 $0x1BF5;
	p2 =	por !p2, p0  }
0x20: {  	[sflag:s8] =	ssyncset.s32 @!p0 $0xFFFFF086;
	s6 =	sadd.s32 @!p0 s3, s7;
	s7 =	simm.s32 @!p0 $0x108  }
0x21: {  	s3 =	sadd.s32 s3, s9;
	s6 =	sadd.s32 @!p0 $0x88, s6;
	s7 =	simm.s32 @p2 $0x1082  }
0x22: {  	[simem:s7], [sflag:s8] =	dma.local @!p0 [hbm:s6], $0xF7A  }
0x23: {  	s9 =	sor.u32 $0xD0000000, s2;
	s6 =	simm.s32 $0x108;
	_ =	swait.ge @!p0 [sflag:s8], $0x0  }
0x24: {  	s3 =	sadd.s32 $0x88, s3;
	s6 =	simm.s32 @!p1 $0x1082;
	[sflag:s4] =	ssyncset.s32 $0xFFFFF086  }
0x25: {  	[simem:s6], [sflag:s4] =	dma.local [hbm:s3], $0xF7A  }
0x26: {  	[smem:$0x3F94] =	sst s1;
	(tag) =	ssettag s2;
	_ =	strace s9  }
0x27: {  	s1 =	sld [smem:$0x3FA4]  }
0x28: {  	s2 =	sld [smem:$0x3FA5]  }
0x29: {  	s4 =	sld [smem:$0x3FA7]  }
0x2a: {  	p0 =	seq.s32 s5, $0x0;
	s5 =	sld [smem:$0x3FA8]  }
0x2b: {  	s6 =	sld [smem:$0x3FA9]  }
0x2c: {  	s7 =	sld [smem:$0x3FAA]  }
0x2d: {  	s3 =	simm.s32 $0x108;
	s8 =	sld [smem:$0x3FAB]  }
0x2e: {  	s3 =	simm.s32 @!p0 $0x1082;
	s9 =	sld [smem:$0x3FAC]  }
0x2f: {  	lr =	sadd.s32 s0, s3;
	s0 =	sld [smem:$0x3FA3]  }
0x30: {  	s3 =	sld [smem:$0x3FA6]  }
0x31: {  	[smem:$0x3FAF] =	sst s10  }
0x32: {  	s10 =	sld [smem:$0x3FAD];
	_ =	sdelay $0x3  }
0x33: {  	p0 =	seq.s32 s10, $0x1;
	s10 =	sld [smem:$0x3FAF];
	_ =	sdelay $0x3  }
0x34: {  	[smem:$0x3FAF] =	sst s10  }
0x35: {  	s10 =	sld [smem:$0x3FAE];
	_ =	sdelay $0x3  }
0x36: {  	p1 =	seq.s32 s10, $0x1;
	s10 =	sld [smem:$0x3FAF];
	_ =	sdelay $0x3  }
0x37: {  	[smem:$0x3FAF] =	sst s10  }
0x38: {  	s10 =	sld [smem:$0x3FB0]  }
0x39: {  	_ = 	snop;
	(pc) =	sbr.ind lr, $3  }
0x3a: {  	_ = 	snop  }
0x3b: {  	_ = 	snop  }
0x3c: {  	p2 =	seq.s32 s10, $0x1;
	s10 =	sld [smem:$0x3FAF]  }
0x3d: {  	_ =	shalt  }
0x3e: {  	_ =	shalt  }
0x3f: {  	_ =	shalt  }
0x40: {  	_ =	shalt  }
0x41: {  	_ =	shalt  }
0x42: {  	_ =	shalt  }
0x43: {  	_ =	shalt  }
0x44: {  	_ =	shalt  }
0x45: {  	_ =	shalt  }
0x46: {  	_ =	shalt  }
0x47: {  	_ =	shalt  }
0x48: {  	_ =	shalt  }
0x49: {  	_ =	shalt  }
0x4a: {  	_ =	shalt  }
0x4b: {  	_ =	shalt  }
0x4c: {  	_ =	shalt  }
0x4d: {  	_ =	shalt  }
0x4e: {  	_ =	shalt  }
0x4f: {  	_ =	shalt  }
0x50: {  	_ =	shalt  }
0x51: {  	_ =	shalt  }
0x52: {  	_ =	shalt  }
0x53: {  	_ =	shalt  }
0x54: {  	_ =	shalt  }
0x55: {  	_ =	shalt  }
0x56: {  	_ =	shalt  }
0x57: {  	_ =	shalt  }
0x58: {  	_ =	shalt  }
0x59: {  	_ =	shalt  }
0x5a: {  	_ =	shalt  }
0x5b: {  	_ =	shalt  }
0x5c: {  	_ =	shalt  }
0x5d: {  	_ =	shalt  }
0x5e: {  	_ =	shalt  }
0x5f: {  	_ =	shalt  }
0x60: {  	_ =	shalt  }
0x61: {  	_ =	shalt  }
0x62: {  	_ =	shalt  }
0x63: {  	_ =	shalt  }
0x64: {  	_ =	shalt  }
0x65: {  	_ =	shalt  }
0x66: {  	_ =	shalt  }
0x67: {  	_ =	shalt  }
0x68: {  	_ =	shalt  }
0x69: {  	_ =	shalt  }
0x6a: {  	_ =	shalt  }
0x6b: {  	_ =	shalt  }
0x6c: {  	_ =	shalt  }
0x6d: {  	_ =	shalt  }
0x6e: {  	_ =	shalt  }
0x6f: {  	_ =	shalt  }
0x70: {  	_ =	shalt  }
0x71: {  	_ =	shalt  }
0x72: {  	_ =	shalt  }
0x73: {  	_ =	shalt  }
0x74: {  	_ =	shalt  }
0x75: {  	_ =	shalt  }
0x76: {  	_ =	shalt  }
0x77: {  	_ =	shalt  }
0x78: {  	_ =	shalt  }
0x79: {  	_ =	shalt  }
0x7a: {  	_ =	shalt  }
0x7b: {  	_ =	shalt  }
0x7c: {  	_ =	shalt  }
0x7d: {  	_ =	shalt  }
0x7e: {  	_ =	shalt  }
0x7f: {  	_ =	shalt  }
0x80: {  	_ =	shalt  }
0x81: {  	_ =	shalt  }
0x82: {  	_ =	shalt  }
0x83: {  	_ =	shalt  }
0x84: {  	_ =	shalt  }
0x85: {  	_ =	shalt  }
0x86: {  	_ =	shalt  }
0x87: {  	_ =	shalt  }
.Lfunc_end0:
.L_simem_size_0:
called_computation.1_lowered:
.L_overlay_start_0:
0x88: {  	s2 =	sld [smem:$0x3FD9]  }
0x89: {  	s3 =	sld [smem:$0x3FFE];
	_ =	sdelay $0x1  }
0x8a: {  	s1 =	srdreg.scid  }
0x8b: {  	s0 =	sand.u32 $0x1, s1  }
0x8c: {  	s16 =	sshll.u32 s0, $0xA;
	s2 =	sadd.s32 s3, s2  }
0x8d: {  	s2 =	sadd.s32 s2, s16  }
0x8e: {  	[smem:$0x3FBB] =	sst s2  }
0x8f: {  	_ = 	snop  }
0x90: {  	(tm) =	ssettm $0x1  }
0x91: {  	s17 =	sld [smem:$0x3FFB];
	_ =	sdelay $0x3  }
0x92: {  	_ =	strace s17  }
0x93: {  	s2 =	sld [smem:$0x3FFC];
	_ =	sdelay $0x3  }
0x94: {  	_ =	strace s2  }
0x95: {  	s2 =	sld [smem:$0x3FFD];
	_ =	sdelay $0x3  }
0x96: {  	_ =	strace s2  }
0x97: {  	_ =	strace $0x8FFFFFFF  }
0x98: {  	s18 =	sld [smem:$0x3FDB];
	_ =	sdelay $0x1  }
0x99: {  	s19 =	simm.s32 $_scs_section_size  }
0x9a: {  	s4 =	simm.s32 $_size__tile_overlayer_lowered;
	s5 =	simm.s32 $_tile_overlayer_lowered  }
0x9b: {  	s22 =	simm.s32 $0x1BFF;
	s21 =	sshll.u32 s5, $0x1;
	s2 =	sadd.s32 s19, s18  }
0x9c: {  	s6 =	simm.s32 $0x0;
	s20 =	sshll.u32 s4, $0x1;
	s4 =	sadd.s32 s21, s2  }
0x9d: {  	[timem:s6], [sflag:s22] =	dma.local [hbm:s4], s20  }
0x9e: {  	_ =	swait.ge [sflag:s22], s20  }
0x9f: {  	s3 =	ssub.s32 $0x0, s20;
	[sflag:s22] =	ssyncset.done $0x0  }
0xa0: {  	[sflag:s22] =	ssyncadd.s32 s3;
	_ =	sdelay $0x1  }
0xa1: {  	s23 =	simm.s32 $0x1B8B  }
0xa2: {  	_ =	swait.ge [sflag:s23], $0x1  }
0xa3: {  	[sflag:s23] =	ssyncset.done $0x0  }
0xa4: {  	s25 =	simm.s32 $0x1B8E;
	s24 =	sld [smem:$0x3FFE];
	[sflag:s23] =	ssyncadd.s32 $0xFFFFFFFF  }
0xa5: {  	s26 =	simm.s32 $execute0_lowered;
	[smem:$0x3FD2] =	sst s25  }
0xa6: {  	s4 =	sshll.u32 s26, $0x1;
	_ =	strace $0x80000049;
	[dreg:$0x1] =	wrdreg $0xFFFFFFFF  }
0xa7: {  	s28 =	simm.s32 $_size_execute0_lowered;
	s2 =	sadd.s32 s2, s4;
	[dreg:$0x0] =	wrdreg $0x0  }
0xa8: {  	s4 =	sshll.u32 s28, $0x1;
	[dreg:$0x2] =	wrdreg s2  }
0xa9: {  	[dreg:$0x3] =	wrdreg s4  }
0xaa: {  	[dreg:$0x4] =	wrdreg $0xC0  }
0xab: {  	_ =	task [dreg:s6], $0x5FFFF  }
0xac: {  	[dreg:$0x1] =	wrdreg $0xFFFFFFFF  }
0xad: {  	[dreg:$0x0] =	wrdreg $0x60  }
0xae: {  	[dreg:$0x2] =	wrdreg s24  }
0xaf: {  	[dreg:$0x3] =	wrdreg $0x60800  }
0xb0: {  	[dreg:$0x4] =	wrdreg $0x9  }
0xb1: {  	_ =	task.clear_ibuf [dreg:s6], $0x5FFFF;
	_ =	strace $0x90000049  }
0xb2: {  	s29 =	simm.s32 $0x9;
	_ =	strace $0x8000004B  }
0xb3: {  	_ =	swait.ge [sflag:s29], $0x1  }
0xb4: {  	[sflag:s29] =	ssyncadd.s32 $0xFFFFFFFF  }
0xb5: {  	_ =	strace $0x9000004B  }
0xb6: {  	_ =	sfence  }
0xb7: {  	s30 =	sld [smem:$0x0];
	_ =	sdelay $0x2  }
0xb8: {  	s31 =	sshll.u32 s1, $0xD;
	s1 =	sshrl.u32 s1, $0x2  }
0xb9: {  	s3 =	sand.u32 $0x4000, s31;
	s1 =	sadd.s32 s1, s30  }
0xba: {  	s0 =	sor.u32 s3, s0;
	s1 =	sshll.u32 s1, $0x11  }
0xbb: {  	s0 =	sor.u32 s1, s0  }
0xbc: {  	s0 =	sadd.s32 $0x8F2B, s0  }
0xbd: {  	[sflag:s0] =	ssyncadd.remote.s32 $0x1  }
0xbe: {  	_ =	sfence.sel $0xFFFF  }
0xbf: {  	[dreg:$0x0] =	wrdreg $0xFFFFFFFF;
	(pc) =	sbr.abs _section_cstart, $3  }
0xc0: {  	[dreg:$0x1] =	wrdreg $0xFFFFFFFF  }
0xc1: {  	_ =	task.clear_ibuf [dreg:s6], $0x2FFFF;
	_ =	strace $0x9FFFFFFF  }
0xc2: {  	(tm) =	ssettm $0x7FFFFFFF  }
0xc3: {  	_ =	shalt  }
tec
execute0_lowered:
.L_overlay_start_1:
0x0: {  	(tag) =	ssettag $0x1  }
0x1: {  	s0 =	rddreg [dreg:$0x0]  }
0x2: {  	s10 =	stileid.u32;
	s1 =	srdreg.scid  }
0x3: {  	s2 =	rddreg [dreg:$0x1];
	s3 =	simm.s32 $0x0;
	s4 =	smul.u32 $0x18900, s10  }
0x4: {  	s28 =	simm.s32 $0x1;
	s29 =	simm.s32 $0x80;
	s6 =	smul.u32 $0x62400, s10  }
0x5: {  	s30 =	simm.s32 $0x2080;
	s1 =	sand.u32 $0x1, s1;
	s19 =	smul.u32 $0x44000, s10  }
0x6: {  	s31 =	simm.s32 $0x0;
	[smem:$0x7FF] =	sst s3;
	s5 =	smul.u32 $0xC480, s1  }
0x7: {  	_ =	strace $0x8000004A;
	s20 =	sshll.u32 s1, $0x13;
	s21 =	ssub.s32 $0x2, s1  }
0x8: {  	s26 =	smul.u32 $0x31200, s1;
	s22 =	sshrl.u32 s21, $0x1;
	s4 =	sadd.s32 s5, s4  }
0x9: {  	s7 =	sadd.s32 s6, s0;
	s9 =	ssub.s32 s21, s22;
	s4 =	sshrl.u32 s4, $0x3  }
0xa: {  	s5 =	sshrl.u32 s19, $0x2;
	s23 =	smax.u32 s9, $0x1;
	s8 =	sadd.s32 s4, s0  }
0xb: {  	s0 =	sadd.s32 s20, s0;
	s4 =	sadd.s32 s5, s2;
	s5 =	sshll.u32 s10, $0xB  }
0xc: {  	[dreg:$0x3] =	wrdreg s23;
	s6 =	sadd.s32 $0x3A00, s0;
	s24 =	sadd.s32 $0x1000, s4  }
0xd: {  	s25 =	sadd.s32 $0x2000, s4;
	s10 =	sadd.s32 $0x3000, s4;
	s11 =	sadd.s32 $0x4000, s4  }
0xe: {  	s12 =	sadd.s32 $0x5000, s4;
	s13 =	sadd.s32 $0x6000, s4;
	s14 =	sadd.s32 $0x7000, s4  }
0xf: {  	s15 =	sadd.s32 $0x8000, s4;
	s16 =	sadd.s32 $0x9000, s4;
	s17 =	sadd.s32 $0xA000, s4  }
0x10: {  	s18 =	sadd.s32 $0xB000, s4;
	s19 =	sadd.s32 $0xC000, s4;
	s20 =	sadd.s32 $0xD000, s4  }
0x11: {  	s21 =	sadd.s32 $0xE000, s4;
	s0 =	sadd.s32 s26, s7;
	s22 =	sadd.s32 $0xF000, s4  }
0x12: {  	s23 =	sadd.s32 $0x10000, s4;
	s26 =	simm.s32 $0x1080;
	[dreg:$0x4] =	wrdreg s24  }
0x13: {  	v0 =	vimm.f32 $0.0e+00;
	[dreg:$0x5] =	wrdreg s25;
	s24 =	sadd.s32 $0x3F3400, s0;
	s25 =	sadd.s32 $0x3C2200, s8  }
.LBB2_1:
0x14: {  	s0 =	simm.s32 $0x80;
	s1 =	simm.s32 $0x0  }
.LBB2_2:
0x15: {  	p0 =	sne.s32 s0, $0x3F80;
	[tilespmem:s1+$0x1080] =	vst v0;
	s7 =	smov.u32 s0;
	s0 =	sadd.s32 $0x80, s0  }
.Ltmp0:
0x16: {  	[tilespmem:s1+$0x1090] =	vst v0;
	(pc) =	sbr.rel @p0 .LBB2_2-.Ltmp0, $2  }
0x17: {  	_ =	sdelay $0x2  }
0x18: {  	s1 =	sshra.s32 s7, $0x2  }
0x19: {  	[tilespmem:s1+$0x1080] =	vst v0  }
0x1a: {  	[tilespmem:s1+$0x1090] =	vst v0  }
0x1b: {  	[spmem:s4] =	stream.linear.scatter [tilespmem:s26], [sflag:$0x1], $0x1000, $0x38;
	[tilespmem:$0x17080] =	vst v63  }
0x1c: {  	_ =	swait.ge [sflag:s28], $0x1000  }
0x1d: {  	[sflag:s28] =	ssyncset.done $0x0  }
0x1e: {  	s0 =	rddreg [dreg:$0x4];
	[sflag:s28] =	ssyncadd.s32 $0xFFFFF000  }
0x1f: {  	[spmem:s0] =	stream.linear.scatter [tilespmem:s26], [sflag:$0x1], $0x1000, $0x38;
	[tilespmem:$0x17080] =	vst v63  }
0x20: {  	_ =	swait.ge [sflag:s28], $0x1000  }
0x21: {  	[sflag:s28] =	ssyncset.done $0x0  }
0x22: {  	s8 =	rddreg [dreg:$0x5];
	[sflag:s28] =	ssyncadd.s32 $0xFFFFF000  }
0x23: {  	[spmem:s8] =	stream.linear.scatter [tilespmem:s26], [sflag:$0x1], $0x1000, $0x38;
	[tilespmem:$0x17080] =	vst v63  }
0x24: {  	_ =	swait.ge [sflag:s28], $0x1000  }
0x25: {  	[sflag:s28] =	ssyncset.done $0x0  }
0x26: {  	[sflag:s28] =	ssyncadd.s32 $0xFFFFF000  }
0x27: {  	[spmem:s10] =	stream.linear.scatter [tilespmem:s26], [sflag:$0x1], $0x1000, $0x38;
	[tilespmem:$0x17080] =	vst v63  }
0x28: {  	_ =	swait.ge [sflag:s28], $0x1000  }
0x29: {  	[sflag:s28] =	ssyncset.done $0x0  }
0x2a: {  	[sflag:s28] =	ssyncadd.s32 $0xFFFFF000  }
0x2b: {  	[spmem:s11] =	stream.linear.scatter [tilespmem:s26], [sflag:$0x1], $0x1000, $0x38;
	[tilespmem:$0x17080] =	vst v63  }
0x2c: {  	_ =	swait.ge [sflag:s28], $0x1000  }
0x2d: {  	[sflag:s28] =	ssyncset.done $0x0  }
0x2e: {  	[sflag:s28] =	ssyncadd.s32 $0xFFFFF000  }
0x2f: {  	[spmem:s12] =	stream.linear.scatter [tilespmem:s26], [sflag:$0x1], $0x1000, $0x38;
	[tilespmem:$0x17080] =	vst v63  }
0x30: {  	_ =	swait.ge [sflag:s28], $0x1000  }
0x31: {  	[sflag:s28] =	ssyncset.done $0x0  }
0x32: {  	[sflag:s28] =	ssyncadd.s32 $0xFFFFF000  }
0x33: {  	[spmem:s13] =	stream.linear.scatter [tilespmem:s26], [sflag:$0x1], $0x1000, $0x38;
	[tilespmem:$0x17080] =	vst v63  }
0x34: {  	_ =	swait.ge [sflag:s28], $0x1000  }
0x35: {  	[sflag:s28] =	ssyncset.done $0x0  }
0x36: {  	[sflag:s28] =	ssyncadd.s32 $0xFFFFF000  }
0x37: {  	[spmem:s14] =	stream.linear.scatter [tilespmem:s26], [sflag:$0x1], $0x1000, $0x38;
	[tilespmem:$0x17080] =	vst v63  }
0x38: {  	_ =	swait.ge [sflag:s28], $0x1000  }
0x39: {  	[sflag:s28] =	ssyncset.done $0x0  }
0x3a: {  	[sflag:s28] =	ssyncadd.s32 $0xFFFFF000  }
0x3b: {  	[spmem:s15] =	stream.linear.scatter [tilespmem:s26], [sflag:$0x1], $0x1000, $0x38;
	[tilespmem:$0x17080] =	vst v63  }
0x3c: {  	_ =	swait.ge [sflag:s28], $0x1000  }
0x3d: {  	[sflag:s28] =	ssyncset.done $0x0  }
0x3e: {  	[sflag:s28] =	ssyncadd.s32 $0xFFFFF000  }
0x3f: {  	[spmem:s16] =	stream.linear.scatter [tilespmem:s26], [sflag:$0x1], $0x1000, $0x38;
	[tilespmem:$0x17080] =	vst v63  }
0x40: {  	_ =	swait.ge [sflag:s28], $0x1000  }
0x41: {  	[sflag:s28] =	ssyncset.done $0x0  }
0x42: {  	[sflag:s28] =	ssyncadd.s32 $0xFFFFF000  }
0x43: {  	[spmem:s17] =	stream.linear.scatter [tilespmem:s26], [sflag:$0x1], $0x1000, $0x38;
	[tilespmem:$0x17080] =	vst v63  }
0x44: {  	_ =	swait.ge [sflag:s28], $0x1000  }
0x45: {  	[sflag:s28] =	ssyncset.done $0x0  }
0x46: {  	[sflag:s28] =	ssyncadd.s32 $0xFFFFF000  }
0x47: {  	[spmem:s18] =	stream.linear.scatter [tilespmem:s26], [sflag:$0x1], $0x1000, $0x38;
	[tilespmem:$0x17080] =	vst v63  }
0x48: {  	_ =	swait.ge [sflag:s28], $0x1000  }
0x49: {  	[sflag:s28] =	ssyncset.done $0x0  }
0x4a: {  	[sflag:s28] =	ssyncadd.s32 $0xFFFFF000  }
0x4b: {  	[spmem:s19] =	stream.linear.scatter [tilespmem:s26], [sflag:$0x1], $0x1000, $0x38;
	[tilespmem:$0x17080] =	vst v63  }
0x4c: {  	_ =	swait.ge [sflag:s28], $0x1000  }
0x4d: {  	[sflag:s28] =	ssyncset.done $0x0  }
0x4e: {  	[sflag:s28] =	ssyncadd.s32 $0xFFFFF000  }
0x4f: {  	[spmem:s20] =	stream.linear.scatter [tilespmem:s26], [sflag:$0x1], $0x1000, $0x38;
	[tilespmem:$0x17080] =	vst v63  }
0x50: {  	_ =	swait.ge [sflag:s28], $0x1000  }
0x51: {  	[sflag:s28] =	ssyncset.done $0x0  }
0x52: {  	[sflag:s28] =	ssyncadd.s32 $0xFFFFF000  }
0x53: {  	[spmem:s21] =	stream.linear.scatter [tilespmem:s26], [sflag:$0x1], $0x1000, $0x38;
	[tilespmem:$0x17080] =	vst v63  }
0x54: {  	_ =	swait.ge [sflag:s28], $0x1000  }
0x55: {  	[sflag:s28] =	ssyncset.done $0x0  }
0x56: {  	[sflag:s28] =	ssyncadd.s32 $0xFFFFF000  }
0x57: {  	[spmem:s22] =	stream.linear.scatter [tilespmem:s26], [sflag:$0x1], $0x1000, $0x38;
	[tilespmem:$0x17080] =	vst v63  }
0x58: {  	_ =	swait.ge [sflag:s28], $0x1000  }
0x59: {  	[sflag:s28] =	ssyncset.done $0x0  }
0x5a: {  	[sflag:s28] =	ssyncadd.s32 $0xFFFFF000  }
0x5b: {  	[spmem:s23] =	stream.linear.scatter [tilespmem:s26], [sflag:$0x1], $0x1000, $0x38;
	[tilespmem:$0x17080] =	vst v63  }
0x5c: {  	_ =	swait.ge [sflag:s28], $0x1000  }
0x5d: {  	[sflag:s28] =	ssyncset.done $0x0  }
0x5e: {  	[sflag:s28] =	ssyncadd.s32 $0xFFFFF000  }
0x5f: {  	s9 =	sadd.s32 $0x0, s25;
	[bflag:$0x0] =	sbarrier.arrive $0xFFFF  }
0x60: {  	[tilespmem:s3], [sflag:$0x1] =	stream.linear.gather [hbm4b:s9+s3], $0x80, $0x38;
	[tilespmem:$0x17080] =	vst v63  }
0x61: {  	_ =	swait.ge [sflag:s28], $0x80  }
0x62: {  	[sflag:s28] =	ssyncset.done $0x0  }
0x63: {  	[sflag:s28] =	ssyncadd.s32 $0xFFFFFF80  }
0x64: {  	[tilespmem:s29], [sflag:$0x1] =	stream.linear.gather [hbm4b:s24+s3], $0x1000, $0x38;
	[tilespmem:$0x17080] =	vst v63  }
0x65: {  	_ =	swait.ge [sflag:s28], $0x1000  }
0x66: {  	[sflag:s28] =	ssyncset.done $0x0  }
0x67: {  	[sflag:s28] =	ssyncadd.s32 $0xFFFFF000  }
0x68: {  	[spmem:s2] =	stream.indirect.scatter.add.f32 [tilespmem:s29], [sflag:$0x1], $0x20, s3, s29, $0xb8;
	[tilespmem:$0x17080] =	vst v63  }
0x69: {  	s1 =	simm.s32 $0x10;
	_ =	swait.ge [sflag:s28], $0x1000  }
0x6a: {  	s7 =	simm.s32 $0x20;
	s0 =	sadd.s32 $0x200, s24;
	[sflag:s28] =	ssyncset.done $0x0  }
.LBB2_4:
0x6b: {  	s8 =	sadd.s32 s1, s25  }
0x6c: {  	[sflag:s28] =	ssyncadd.s32 $0xFFFFF000;
	s1 =	smov.u32 s7;
	s9 =	sadd.s32 $0x10, s7  }
0x6d: {  	[tilespmem:s3], [sflag:$0x1] =	stream.linear.gather [hbm4b:s8+s3], $0x80, $0x38;
	[tilespmem:$0x17080] =	vst v63  }
0x6e: {  	p0 =	sne.s32 s7, $0x1880;
	_ =	swait.ge [sflag:s28], $0x80  }
0x6f: {  	[sflag:s28] =	ssyncset.done $0x0  }
0x70: {  	[sflag:s28] =	ssyncadd.s32 $0xFFFFFF80  }
0x71: {  	[tilespmem:s29], [sflag:$0x1] =	stream.linear.gather [hbm4b:s0+s3], $0x1000, $0x38;
	[tilespmem:$0x17080] =	vst v63  }
0x72: {  	_ =	swait.ge [sflag:s28], $0x1000  }
.Ltmp1:
0x73: {  	[sflag:s28] =	ssyncset.done $0x0;
	(pc) =	sbr.rel @p0 .LBB2_4-.Ltmp1, $4  }
0x74: {  	[sflag:s28] =	ssyncadd.s32 $0xFFFFF000  }
0x75: {  	[spmem:s2] =	stream.indirect.scatter.add.f32 [tilespmem:s29], [sflag:$0x1], $0x20, s3, s29, $0xb8;
	[tilespmem:$0x17080] =	vst v63  }
0x76: {  	_ =	swait.ge [sflag:s28], $0x1000  }
0x77: {  	s7 =	smov.u32 s9;
	s0 =	sadd.s32 $0x200, s0;
	[sflag:s28] =	ssyncset.done $0x0  }
0x78: {  	s1 =	sadd.s32 s1, s25;
	[sflag:s28] =	ssyncadd.s32 $0xFFFFF000  }
0x79: {  	[tilespmem:s3], [sflag:$0x1] =	stream.linear.gather [hbm4b:s1+s3], $0x80, $0x38;
	[tilespmem:$0x17080] =	vst v63  }
0x7a: {  	_ =	swait.ge [sflag:s28], $0x80  }
0x7b: {  	[sflag:s28] =	ssyncset.done $0x0  }
0x7c: {  	[sflag:s28] =	ssyncadd.s32 $0xFFFFFF80  }
0x7d: {  	[tilespmem:s29], [sflag:$0x1] =	stream.linear.gather [hbm4b:s0+s3], $0x1000, $0x38;
	[tilespmem:$0x17080] =	vst v63  }
0x7e: {  	_ =	swait.ge [sflag:s28], $0x1000  }
0x7f: {  	[sflag:s28] =	ssyncset.done $0x0  }
0x80: {  	[sflag:s28] =	ssyncadd.s32 $0xFFFFF000  }
0x81: {  	[spmem:s2] =	stream.indirect.scatter.add.f32 [tilespmem:s29], [sflag:$0x1], $0x20, s3, s29, $0xb8;
	[tilespmem:$0x17080] =	vst v63  }
0x82: {  	_ =	swait.ge [sflag:s28], $0x1000  }
0x83: {  	[sflag:s28] =	ssyncset.done $0x0  }
0x84: {  	[sflag:s28] =	ssyncadd.s32 $0xFFFFF000  }
0x85: {  	s1 =	simm.s32 $0x0;
	[bflag:$0x0] =	sbarrier.arrive $0xFFFF  }
.LBB2_6:
0x86: {  	s0 =	sshll.u32 s1, $0x7  }
0x87: {  	s0 =	sadd.s32 s5, s0  }
0x88: {  	s7 =	sshll.u32 s0, $0x5  }
0x89: {  	s7 =	sand.u32 $0x3FFFFFE0, s7  }
0x8a: {  	s7 =	sadd.s32 s7, s2  }
0x8b: {  	[tilespmem:s29], [sflag:$0x1] =	stream.linear.gather [spmem:s7], $0x1000, $0x38;
	[tilespmem:$0x17080] =	vst v63  }
0x8c: {  	_ =	swait.ge [sflag:s28], $0x1000  }
0x8d: {  	[sflag:s28] =	ssyncset.done $0x0  }
0x8e: {  	s8 =	simm.s32 $0x0;
	[sflag:s28] =	ssyncadd.s32 $0xFFFFF000  }
0x8f: {  	v1 =	vld [tilespmem:s8+$0x80];
	_ =	sdelay $0x3  }
0x90: {  	s7 =	simm.s32 $0x2090  }
0x91: {  	[tilespmem:s7+$0xFFFFFFF0] =	vst v1  }
0x92: {  	v1 =	vld [tilespmem:s8+$0x90];
	_ =	sdelay $0x4  }
0x93: {  	s9 =	simm.s32 $0x20;
	s8 =	simm.s32 $0x100;
	[tilespmem:s7+$0x0] =	vst v1  }
.LBB2_7:
0x94: {  	p0 =	sne.s32 s8, $0x3F80;
	v1 =	vld [tilespmem:s9+$0x80];
	_ =	sdelay $0x3  }
0x95: {  	s7 =	sadd.s32 $0x80, s7  }
0x96: {  	[tilespmem:s7+$0xFFFFFFF0] =	vst v1  }
0x97: {  	v1 =	vld [tilespmem:s9+$0x90]  }
.Ltmp2:
0x98: {  	(pc) =	sbr.rel @p0 .LBB2_7-.Ltmp2, $2  }
0x99: {  	_ =	sdelay $0x2  }
0x9a: {  	s9 =	sshra.s32 s8, $0x2;
	s8 =	sadd.s32 $0x80, s8;
	[tilespmem:s7+$0x0] =	vst v1  }
0x9b: {  	v1 =	vld [tilespmem:s9+$0x80];
	_ =	sdelay $0x3  }
0x9c: {  	s7 =	sadd.s32 $0x80, s7  }
0x9d: {  	[tilespmem:s7+$0xFFFFFFF0] =	vst v1  }
0x9e: {  	v1 =	vld [tilespmem:s9+$0x90];
	_ =	sdelay $0x2  }
0x9f: {  	s1 =	sadd.s32 $0x1, s1  }
0xa0: {  	s0 =	sshll.u32 s0, $0x4;
	p0 =	sne.s32 s1, $0x10  }
.Ltmp3:
0xa1: {  	s0 =	sadd.s32 s0, s6;
	[tilespmem:s7+$0x0] =	vst v1;
	(pc) =	sbr.rel @p0 .LBB2_6-.Ltmp3, $4  }
0xa2: {  	[hbm4b:s0+s3] =	stream.linear.scatter [tilespmem:s30], [sflag:$0x1], $0x4000, $0x38;
	[tilespmem:$0x17080] =	vst v63  }
0xa3: {  	_ =	swait.ge [sflag:s28], $0x4000  }
0xa4: {  	[sflag:s28] =	ssyncset.done $0x0  }
0xa5: {  	[sflag:s28] =	ssyncadd.s32 $0xFFFFC000  }
0xa6: {  	s31 =	sadd.s32 $0x1, s31;
	s0 =	rddreg [dreg:$0x3]  }
0xa7: {  	p0 =	sne.s32 s31, s0  }
.Ltmp4:
0xa8: {  	_ = 	snop;
	(pc) =	sbr.rel @p0 .LBB2_1-.Ltmp4, $1  }
0xa9: {  	_ =	sdelay $0x3  }
0xaa: {  	_ =	sfence.sel $0x180000  }
0xab: {  	[bflag:$0x0] =	sbarrier.arrive $0xFFFF  }
0xac: {  	_ =	strace $0x9000004A  }
0xad: {  	s0 =	stileid.u32;
	[bflag:$0x2] =	sbarrier.arrive $0xFFFF  }
0xae: {  	p0 =	sne.s32 s0, $0x0;
	s0 =	rddreg [dreg:$0x2]  }
0xaf: {  	s0 =	sadd.s32 @!p0 $0x100000, s0  }
0xb0: {  	[sflag:s0] =	ssyncadd.tile.s32 @!p0 $0x1;
	_ =	shalt  }
.Lfunc_end2:
_tile_overlayer_lowered:
.L_overlay_start_2:
0xb1: {  	(tag) =	ssettag $0x2  }
0xb2: {  	s0 =	rddreg [dreg:$0x0];
	s2 =	stileid.u32  }
0xb3: {  	s1 =	rddreg [dreg:$0x1];
	p0 =	sne.s32 s2, $0x0  }
0xb4: {  	s3 =	rddreg [dreg:$0x2];
	[bflag:$0x3] =	sbarrier.arrive $0xFFFF;
	s2 =	simm.s32 @!p0 $0x1C01  }
0xb5: {  	[timem:s3], [sflag:s2] =	dma.local @!p0 [hbm:s0], s1  }
0xb6: {  	s0 =	simm.s32 @!p0 $0x1  }
0xb7: {  	_ =	swait.ge @!p0 [sflag:s0], s1  }
0xb8: {  	s1 =	ssub.s32 @!p0 $0x0, s1;
	[sflag:s0] =	ssyncset.done @!p0 $0x0  }
0xb9: {  	[sflag:s0] =	ssyncadd.s32 @!p0 s1  }
0xba: {  	[bflag:$0x3] =	sbarrier.arrive $0xFFFF  }
0xbb: {  	_ =	shalt  }

// kernel: kernel.8.cloned.1.call-start
scs
__scs_entry_jumppad:
0x0: {  	(pc) =	sbr.rel $0x88, $3  }
0x1: {  	(tag) =	ssettag $0x0;
	lr =	simm.s32 $0x1  }
0x2: {  	[smem:$0x3F94] =	sst lr;
	_ =	strace $0xD0000000  }
0x3: {  	_ = 	snop  }
0x4: {  	_ = 	snop  }
0x5: {  	_ = 	snop  }
0x6: {  	_ = 	snop  }
0x7: {  	_ = 	snop  }
__scs_overlays_trampoline_lowered:
0x8: {  	[smem:$0x3FA3] =	sst s0  }
0x9: {  	[smem:$0x3FA4] =	sst s1  }
0xa: {  	[smem:$0x3FA5] =	sst s2  }
0xb: {  	[smem:$0x3FA6] =	sst s3  }
0xc: {  	[smem:$0x3FA7] =	sst s4  }
0xd: {  	[smem:$0x3FA8] =	sst s5  }
0xe: {  	[smem:$0x3FA9] =	sst s6  }
0xf: {  	[smem:$0x3FAA] =	sst s7  }
0x10: {  	[smem:$0x3FAB] =	sst s8  }
0x11: {  	[smem:$0x3FAC] =	sst s9;
	s0 =	simm.s32 @!p0 $0x0  }
0x12: {  	s1 =	sld [smem:$0x3F92];
	s0 =	simm.s32 @p0 $0x1  }
0x13: {  	[smem:$0x3FAD] =	sst s0;
	s0 =	simm.s32 @!p1 $0x0  }
0x14: {  	s2 =	sld [smem:$0x3F91];
	s0 =	simm.s32 @p1 $0x1  }
0x15: {  	[smem:$0x3FAE] =	sst s0;
	s0 =	simm.s32 @!p2 $0x0  }
0x16: {  	s3 =	sld [smem:$0x3FDB];
	s0 =	simm.s32 @p2 $0x1  }
0x17: {  	s4 =	simm.s32 $0x1BF5;
	[smem:$0x3FB0] =	sst s0  }
0x18: {  	s0 =	sld [smem:$0x3F93];
	_ =	swait.ge [sflag:s4], $0x0  }
0x19: {  	s7 =	sld [smem:$0x3F94]  }
0x1a: {  	s8 =	sadd.s32 $0xFFFFE003, lr  }
0x1b: {  	s9 =	sadd.s32 $0xFFFFFEF7, lr;
	s5 =	simm.s32 $0xFFFFFFFF;
	p2 =	slt.u32 s8, $0xFFFFF086  }
0x1c: {  	p1 =	slt.u32 s9, $0xF7A;
	s5 =	simm.s32 @!p2 $0x0  }
0x1d: {  	s5 =	simm.s32 @p1 $0x1;
	p0 =	seq.s32 s7, s2  }
0x1e: {  	s7 =	smul.u32 @!p0 $0xF7A, s2;
	p2 =	seq.s32 @!p0 s5, $0x0  }
0x1f: {  	s9 =	smul.u32 $0xF7A, s1;
	s8 =	simm.s32 @!p0 $0x1BF5;
	p2 =	por !p2, p0  }
0x20: {  	[sflag:s8] =	ssyncset.s32 @!p0 $0xFFFFF086;
	s6 =	sadd.s32 @!p0 s3, s7;
	s7 =	simm.s32 @!p0 $0x108  }
0x21: {  	s3 =	sadd.s32 s3, s9;
	s6 =	sadd.s32 @!p0 $0x88, s6;
	s7 =	simm.s32 @p2 $0x1082  }
0x22: {  	[simem:s7], [sflag:s8] =	dma.local @!p0 [hbm:s6], $0xF7A  }
0x23: {  	s9 =	sor.u32 $0xD0000000, s2;
	s6 =	simm.s32 $0x108;
	_ =	swait.ge @!p0 [sflag:s8], $0x0  }
0x24: {  	s3 =	sadd.s32 $0x88, s3;
	s6 =	simm.s32 @!p1 $0x1082;
	[sflag:s4] =	ssyncset.s32 $0xFFFFF086  }
0x25: {  	[simem:s6], [sflag:s4] =	dma.local [hbm:s3], $0xF7A  }
0x26: {  	[smem:$0x3F94] =	sst s1;
	(tag) =	ssettag s2;
	_ =	strace s9  }
0x27: {  	s1 =	sld [smem:$0x3FA4]  }
0x28: {  	s2 =	sld [smem:$0x3FA5]  }
0x29: {  	s4 =	sld [smem:$0x3FA7]  }
0x2a: {  	p0 =	seq.s32 s5, $0x0;
	s5 =	sld [smem:$0x3FA8]  }
0x2b: {  	s6 =	sld [smem:$0x3FA9]  }
0x2c: {  	s7 =	sld [smem:$0x3FAA]  }
0x2d: {  	s3 =	simm.s32 $0x108;
	s8 =	sld [smem:$0x3FAB]  }
0x2e: {  	s3 =	simm.s32 @!p0 $0x1082;
	s9 =	sld [smem:$0x3FAC]  }
0x2f: {  	lr =	sadd.s32 s0, s3;
	s0 =	sld [smem:$0x3FA3]  }
0x30: {  	s3 =	sld [smem:$0x3FA6]  }
0x31: {  	[smem:$0x3FAF] =	sst s10  }
0x32: {  	s10 =	sld [smem:$0x3FAD];
	_ =	sdelay $0x3  }
0x33: {  	p0 =	seq.s32 s10, $0x1;
	s10 =	sld [smem:$0x3FAF];
	_ =	sdelay $0x3  }
0x34: {  	[smem:$0x3FAF] =	sst s10  }
0x35: {  	s10 =	sld [smem:$0x3FAE];
	_ =	sdelay $0x3  }
0x36: {  	p1 =	seq.s32 s10, $0x1;
	s10 =	sld [smem:$0x3FAF];
	_ =	sdelay $0x3  }
0x37: {  	[smem:$0x3FAF] =	sst s10  }
0x38: {  	s10 =	sld [smem:$0x3FB0]  }
0x39: {  	_ = 	snop;
	(pc) =	sbr.ind lr, $3  }
0x3a: {  	_ = 	snop  }
0x3b: {  	_ = 	snop  }
0x3c: {  	p2 =	seq.s32 s10, $0x1;
	s10 =	sld [smem:$0x3FAF]  }
0x3d: {  	_ =	shalt  }
0x3e: {  	_ =	shalt  }
0x3f: {  	_ =	shalt  }
0x40: {  	_ =	shalt  }
0x41: {  	_ =	shalt  }
0x42: {  	_ =	shalt  }
0x43: {  	_ =	shalt  }
0x44: {  	_ =	shalt  }
0x45: {  	_ =	shalt  }
0x46: {  	_ =	shalt  }
0x47: {  	_ =	shalt  }
0x48: {  	_ =	shalt  }
0x49: {  	_ =	shalt  }
0x4a: {  	_ =	shalt  }
0x4b: {  	_ =	shalt  }
0x4c: {  	_ =	shalt  }
0x4d: {  	_ =	shalt  }
0x4e: {  	_ =	shalt  }
0x4f: {  	_ =	shalt  }
0x50: {  	_ =	shalt  }
0x51: {  	_ =	shalt  }
0x52: {  	_ =	shalt  }
0x53: {  	_ =	shalt  }
0x54: {  	_ =	shalt  }
0x55: {  	_ =	shalt  }
0x56: {  	_ =	shalt  }
0x57: {  	_ =	shalt  }
0x58: {  	_ =	shalt  }
0x59: {  	_ =	shalt  }
0x5a: {  	_ =	shalt  }
0x5b: {  	_ =	shalt  }
0x5c: {  	_ =	shalt  }
0x5d: {  	_ =	shalt  }
0x5e: {  	_ =	shalt  }
0x5f: {  	_ =	shalt  }
0x60: {  	_ =	shalt  }
0x61: {  	_ =	shalt  }
0x62: {  	_ =	shalt  }
0x63: {  	_ =	shalt  }
0x64: {  	_ =	shalt  }
0x65: {  	_ =	shalt  }
0x66: {  	_ =	shalt  }
0x67: {  	_ =	shalt  }
0x68: {  	_ =	shalt  }
0x69: {  	_ =	shalt  }
0x6a: {  	_ =	shalt  }
0x6b: {  	_ =	shalt  }
0x6c: {  	_ =	shalt  }
0x6d: {  	_ =	shalt  }
0x6e: {  	_ =	shalt  }
0x6f: {  	_ =	shalt  }
0x70: {  	_ =	shalt  }
0x71: {  	_ =	shalt  }
0x72: {  	_ =	shalt  }
0x73: {  	_ =	shalt  }
0x74: {  	_ =	shalt  }
0x75: {  	_ =	shalt  }
0x76: {  	_ =	shalt  }
0x77: {  	_ =	shalt  }
0x78: {  	_ =	shalt  }
0x79: {  	_ =	shalt  }
0x7a: {  	_ =	shalt  }
0x7b: {  	_ =	shalt  }
0x7c: {  	_ =	shalt  }
0x7d: {  	_ =	shalt  }
0x7e: {  	_ =	shalt  }
0x7f: {  	_ =	shalt  }
0x80: {  	_ =	shalt  }
0x81: {  	_ =	shalt  }
0x82: {  	_ =	shalt  }
0x83: {  	_ =	shalt  }
0x84: {  	_ =	shalt  }
0x85: {  	_ =	shalt  }
0x86: {  	_ =	shalt  }
0x87: {  	_ =	shalt  }
.Lfunc_end0:
.L_simem_size_0:
called_computation_lowered:
.L_overlay_start_0:
0x88: {  	s2 =	sld [smem:$0x3FD9]  }
0x89: {  	s3 =	sld [smem:$0x3FFE];
	_ =	sdelay $0x1  }
0x8a: {  	s1 =	srdreg.scid  }
0x8b: {  	s0 =	sand.u32 $0x1, s1  }
0x8c: {  	s16 =	sshll.u32 s0, $0xA;
	s2 =	sadd.s32 s3, s2  }
0x8d: {  	s2 =	sadd.s32 s2, s16  }
0x8e: {  	[smem:$0x3FBB] =	sst s2  }
0x8f: {  	_ = 	snop  }
0x90: {  	(tm) =	ssettm $0x1  }
0x91: {  	s17 =	sld [smem:$0x3FFB];
	_ =	sdelay $0x3  }
0x92: {  	_ =	strace s17  }
0x93: {  	s2 =	sld [smem:$0x3FFC];
	_ =	sdelay $0x3  }
0x94: {  	_ =	strace s2  }
0x95: {  	s2 =	sld [smem:$0x3FFD];
	_ =	sdelay $0x3  }
0x96: {  	_ =	strace s2  }
0x97: {  	_ =	strace $0x8FFFFFFF  }
0x98: {  	s18 =	sld [smem:$0x3FDB];
	_ =	sdelay $0x1  }
0x99: {  	s19 =	simm.s32 $_scs_section_size  }
0x9a: {  	s4 =	simm.s32 $_size__tile_overlayer_lowered;
	s5 =	simm.s32 $_tile_overlayer_lowered  }
0x9b: {  	s22 =	simm.s32 $0x1BFF;
	s21 =	sshll.u32 s5, $0x1;
	s2 =	sadd.s32 s19, s18  }
0x9c: {  	s6 =	simm.s32 $0x0;
	s20 =	sshll.u32 s4, $0x1;
	s4 =	sadd.s32 s21, s2  }
0x9d: {  	[timem:s6], [sflag:s22] =	dma.local [hbm:s4], s20  }
0x9e: {  	_ =	swait.ge [sflag:s22], s20  }
0x9f: {  	s3 =	ssub.s32 $0x0, s20;
	[sflag:s22] =	ssyncset.done $0x0  }
0xa0: {  	[sflag:s22] =	ssyncadd.s32 s3;
	_ =	sdelay $0x1  }
0xa1: {  	s23 =	simm.s32 $0x1B8B  }
0xa2: {  	_ =	swait.ge [sflag:s23], $0x1  }
0xa3: {  	[sflag:s23] =	ssyncset.done $0x0  }
0xa4: {  	s25 =	simm.s32 $0x1B8E;
	s24 =	sld [smem:$0x3FFE];
	[sflag:s23] =	ssyncadd.s32 $0xFFFFFFFF  }
0xa5: {  	s26 =	simm.s32 $execute0_lowered;
	[smem:$0x3FD2] =	sst s25  }
0xa6: {  	s4 =	sshll.u32 s26, $0x1;
	_ =	strace $0x80000046;
	[dreg:$0x1] =	wrdreg $0xFFFFFFFF  }
0xa7: {  	s28 =	simm.s32 $_size_execute0_lowered;
	s2 =	sadd.s32 s2, s4;
	[dreg:$0x0] =	wrdreg $0x0  }
0xa8: {  	s4 =	sshll.u32 s28, $0x1;
	[dreg:$0x2] =	wrdreg s2  }
0xa9: {  	[dreg:$0x3] =	wrdreg s4  }
0xaa: {  	[dreg:$0x4] =	wrdreg $0xC0  }
0xab: {  	_ =	task [dreg:s6], $0x5FFFF  }
0xac: {  	[dreg:$0x1] =	wrdreg $0xFFFFFFFF  }
0xad: {  	[dreg:$0x0] =	wrdreg $0x60  }
0xae: {  	[dreg:$0x2] =	wrdreg s24  }
0xaf: {  	[dreg:$0x3] =	wrdreg $0x9  }
0xb0: {  	_ =	task.clear_ibuf [dreg:s6], $0x4FFFF;
	_ =	strace $0x90000046  }
0xb1: {  	s29 =	simm.s32 $0x9;
	_ =	strace $0x80000048  }
0xb2: {  	_ =	swait.ge [sflag:s29], $0x1  }
0xb3: {  	[sflag:s29] =	ssyncadd.s32 $0xFFFFFFFF  }
0xb4: {  	_ =	strace $0x90000048  }
0xb5: {  	_ =	sfence  }
0xb6: {  	s30 =	sld [smem:$0x0];
	_ =	sdelay $0x2  }
0xb7: {  	s31 =	sshll.u32 s1, $0xD;
	s1 =	sshrl.u32 s1, $0x2  }
0xb8: {  	s3 =	sand.u32 $0x4000, s31;
	s1 =	sadd.s32 s1, s30  }
0xb9: {  	s0 =	sor.u32 s3, s0;
	s1 =	sshll.u32 s1, $0x11  }
0xba: {  	s0 =	sor.u32 s1, s0  }
0xbb: {  	s0 =	sadd.s32 $0x8F2B, s0  }
0xbc: {  	[sflag:s0] =	ssyncadd.remote.s32 $0x1  }
0xbd: {  	_ =	sfence.sel $0xFFFF  }
0xbe: {  	[dreg:$0x0] =	wrdreg $0xFFFFFFFF;
	(pc) =	sbr.abs _section_cstart, $3  }
0xbf: {  	[dreg:$0x1] =	wrdreg $0xFFFFFFFF  }
0xc0: {  	_ =	task.clear_ibuf [dreg:s6], $0x2FFFF;
	_ =	strace $0x9FFFFFFF  }
0xc1: {  	(tm) =	ssettm $0x7FFFFFFF  }
tec
execute0_lowered:
.L_overlay_start_1:
0x0: {  	(tag) =	ssettag $0x1  }
0x1: {  	s0 =	rddreg [dreg:$0x0];
	s2 =	simm.s32 $0x0  }
0x2: {  	s1 =	srdreg.scid;
	s3 =	stileid.u32;
	s11 =	simm.s32 $0x5  }
0x3: {  	s12 =	simm.s32 $0xC0;
	s13 =	simm.s32 $0xC180;
	s14 =	simm.s32 $0xC240  }
0x4: {  	s15 =	simm.s32 $0x60;
	s16 =	simm.s32 $0xC300;
	s17 =	simm.s32 $0x12300  }
0x5: {  	s18 =	simm.s32 $0xC1E0;
	s19 =	simm.s32 $0xF300;
	s20 =	simm.s32 $0xC2A0  }
0x6: {  	s21 =	simm.s32 $0x15300;
	s22 =	simm.s32 $0x1;
	s23 =	simm.s32 $0x180  }
0x7: {  	s24 =	simm.s32 $0x2;
	s25 =	simm.s32 $0x3;
	s26 =	simm.s32 $0x4  }
0x8: {  	s28 =	simm.s32 $0x0;
	s1 =	sand.u32 $0x1, s1;
	s4 =	sshll.u32 s3, $0x1  }
0x9: {  	[smem:$0x7FF] =	sst s2;
	s5 =	sor.u32 s1, s4;
	s1 =	ssub.s32 $0x2, s1  }
0xa: {  	s3 =	sadd.s32 $0x3F3400, s0;
	s6 =	sadd.s32 $0x391000, s0;
	s9 =	sshrl.u32 s1, $0x1  }
0xb: {  	s7 =	sadd.s32 $0x3C2200, s0;
	s5 =	smul.u32 $0xC480, s5;
	s31 =	ssub.s32 s1, s9  }
0xc: {  	s8 =	sadd.s32 $0x579E00, s0;
	s4 =	sadd.s32 $0x3A00, s0;
	s0 =	smax.u32 s31, $0x1  }
0xd: {  	_ =	strace $0x80000047;
	s9 =	sadd.s32 $0xC0, s5;
	[dreg:$0x2] =	wrdreg s0  }
.LBB2_1:
0xe: {  	s29 =	simm.s32 $0x0  }
.LBB2_2:
0xf: {  	s0 =	smul.u32 $0x180, s29;
	_ =	sdelay $0x1  }
0x10: {  	s31 =	sadd.s32 s5, s0  }
0x11: {  	s1 =	sshrl.u32 s31, $0x3  }
0x12: {  	s30 =	sadd.s32 s6, s1  }
0x13: {  	[tilespmem:s2], [sflag:$0x5] =	stream.linear.gather [hbm4b:s30+s2], $0xC0, $0x38;
	[tilespmem:$0x18300] =	vst v63  }
0x14: {  	_ =	swait.ge [sflag:s11], $0xC0  }
0x15: {  	[sflag:s11] =	ssyncset.done $0x0  }
0x16: {  	s1 =	sadd.s32 s7, s1;
	[sflag:s11] =	ssyncadd.s32 $0xFFFFFF40  }
0x17: {  	[tilespmem:s12], [sflag:$0x5] =	stream.linear.gather [hbm4b:s1+s2], $0xC0, $0x38;
	[tilespmem:$0x18300] =	vst v63  }
0x18: {  	s30 =	sadd.s32 s0, s9;
	_ =	swait.ge [sflag:s11], $0xC0  }
0x19: {  	s0 =	sshrl.u32 s30, $0x3;
	[sflag:s11] =	ssyncset.done $0x0  }
0x1a: {  	s10 =	sadd.s32 s6, s0;
	[sflag:s11] =	ssyncadd.s32 $0xFFFFFF40  }
0x1b: {  	[tilespmem:s13], [sflag:$0x5] =	stream.linear.gather [hbm4b:s10+s2], $0xC0, $0x38;
	[tilespmem:$0x18300] =	vst v63  }
0x1c: {  	_ =	swait.ge [sflag:s11], $0xC0  }
0x1d: {  	[sflag:s11] =	ssyncset.done $0x0  }
0x1e: {  	s0 =	sadd.s32 s7, s0;
	[sflag:s11] =	ssyncadd.s32 $0xFFFFFF40  }
0x1f: {  	[tilespmem:s14], [sflag:$0x5] =	stream.linear.gather [hbm4b:s0+s2], $0xC0, $0x38;
	[tilespmem:$0x18300] =	vst v63  }
0x20: {  	p0 =	seq.s32 s29, $0x0;
	_ =	swait.ge [sflag:s11], $0xC0  }
0x21: {  	s1 =	simm.s32 @p0 $0x0;
	[sflag:s11] =	ssyncset.done $0x0  }
0x22: {  	s10 =	simm.s32 @p0 $0x180;
	s0 =	simm.s32 @p0 $0x60;
	[sflag:s11] =	ssyncadd.s32 $0xFFFFFF40  }
0x23: {  	[tilespmem:s10], [sflag:$0x1] =	stream.indirect.gather @p0 [hbm4b:s3+s0], $0x80, s1, s0, $0xb8;
	[tilespmem:$0x18300] =	vst v63  }
0x24: {  	s1 =	simm.s32 @p0 $0xC0;
	s10 =	simm.s32 @p0 $0x6180  }
0x25: {  	[tilespmem:s10], [sflag:$0x1] =	stream.indirect.gather @p0 [hbm4b:s4+s0], $0x80, s1, s0, $0xb8;
	[tilespmem:$0x18300] =	vst v63  }
0x26: {  	s1 =	simm.s32 @p0 $0x3180  }
0x27: {  	[tilespmem:s1], [sflag:$0x1] =	stream.indirect.gather @p0 [hbm4b:s3+s0], $0x80, s0, s0, $0xb8;
	[tilespmem:$0x18300] =	vst v63  }
0x28: {  	s10 =	simm.s32 @p0 $0x9180;
	s1 =	simm.s32 @p0 $0x120  }
0x29: {  	[tilespmem:s10], [sflag:$0x1] =	stream.indirect.gather @p0 [hbm4b:s4+s0], $0x80, s1, s0, $0xb8;
	[tilespmem:$0x18300] =	vst v63  }
0x2a: {  	s0 =	simm.s32 @!p0 $0x3  }
0x2b: {  	_ =	swait.ge @!p0 [sflag:s0], $0x6000  }
0x2c: {  	s1 =	simm.s32 @!p0 $0x0;
	[sflag:s0] =	ssyncset.done @!p0 $0x0  }
0x2d: {  	s10 =	simm.s32 @!p0 $0x180;
	[sflag:s0] =	ssyncadd.s32 @!p0 $0xFFFFA000;
	s0 =	simm.s32 @!p0 $0x60  }
0x2e: {  	[tilespmem:s10], [sflag:$0x1] =	stream.indirect.gather @!p0 [hbm4b:s3+s0], $0x80, s1, s0, $0xb8;
	[tilespmem:$0x18300] =	vst v63  }
0x2f: {  	s1 =	simm.s32 @!p0 $0xC0;
	s10 =	simm.s32 @!p0 $0x6180  }
0x30: {  	[tilespmem:s10], [sflag:$0x1] =	stream.indirect.gather @!p0 [hbm4b:s4+s0], $0x80, s1, s0, $0xb8;
	[tilespmem:$0x18300] =	vst v63  }
0x31: {  	s1 =	simm.s32 @!p0 $0x3180  }
0x32: {  	[tilespmem:s1], [sflag:$0x1] =	stream.indirect.gather @!p0 [hbm4b:s3+s0], $0x80, s0, s0, $0xb8;
	[tilespmem:$0x18300] =	vst v63  }
0x33: {  	s10 =	simm.s32 @!p0 $0x9180;
	s1 =	simm.s32 @!p0 $0x120  }
0x34: {  	[tilespmem:s10], [sflag:$0x1] =	stream.indirect.gather @!p0 [hbm4b:s4+s0], $0x80, s1, s0, $0xb8;
	[tilespmem:$0x18300] =	vst v63  }
0x35: {  	s0 =	simm.s32 @!p0 $0x4  }
0x36: {  	_ =	swait.ge @!p0 [sflag:s0], $0x6000  }
0x37: {  	[sflag:s0] =	ssyncset.done @!p0 $0x0  }
0x38: {  	[sflag:s0] =	ssyncadd.s32 @!p0 $0xFFFFA000  }
0x39: {  	[tilespmem:s16], [sflag:$0x2] =	stream.indirect.gather [hbm4b:s3+s15], $0x80, s13, s15, $0xb8;
	[tilespmem:$0x18300] =	vst v63  }
0x3a: {  	_ = 	snop  }
0x3b: {  	[tilespmem:s17], [sflag:$0x2] =	stream.indirect.gather [hbm4b:s4+s15], $0x80, s14, s15, $0xb8;
	[tilespmem:$0x18300] =	vst v63  }
0x3c: {  	_ = 	snop  }
0x3d: {  	[tilespmem:s19], [sflag:$0x2] =	stream.indirect.gather [hbm4b:s3+s15], $0x80, s18, s15, $0xb8;
	[tilespmem:$0x18300] =	vst v63  }
0x3e: {  	_ = 	snop  }
0x3f: {  	[tilespmem:s21], [sflag:$0x2] =	stream.indirect.gather [hbm4b:s4+s15], $0x80, s20, s15, $0xb8;
	[tilespmem:$0x18300] =	vst v63  }
0x40: {  	_ =	swait.ge [sflag:s22], $0x3000  }
0x41: {  	[sflag:s22] =	ssyncset.done $0x0  }
0x42: {  	[sflag:s22] =	ssyncadd.s32 $0xFFFFD000  }
0x43: {  	_ =	swait.ge [sflag:s22], $0x3000  }
0x44: {  	[sflag:s22] =	ssyncset.done $0x0  }
0x45: {  	[sflag:s22] =	ssyncadd.s32 $0xFFFFD000  }
0x46: {  	_ =	swait.ge [sflag:s22], $0x3000  }
0x47: {  	[sflag:s22] =	ssyncset.done $0x0  }
0x48: {  	[sflag:s22] =	ssyncadd.s32 $0xFFFFD000  }
0x49: {  	_ =	swait.ge [sflag:s22], $0x3000  }
0x4a: {  	[sflag:s22] =	ssyncset.done $0x0  }
0x4b: {  	s0 =	simm.s32 $0x0;
	[sflag:s22] =	ssyncadd.s32 $0xFFFFD000  }
0x4c: {  	v2 =	vld [tilespmem:s0+$0x61E0]  }
0x4d: {  	v0 =	vld [tilespmem:s0+$0x61F0]  }
0x4e: {  	v3 =	vld [tilespmem:s0+$0x6180]  }
0x4f: {  	v4 =	vld [tilespmem:s0+$0x61D0]  }
0x50: {  	v6 =	vld [tilespmem:s0+$0x6190]  }
0x51: {  	v8 =	vld [tilespmem:s0+$0x190]  }
0x52: {  	v5 =	vld [tilespmem:s0+$0x61A0]  }
0x53: {  	v1 =	vld [tilespmem:s0+$0x61B0]  }
0x54: {  	v9 =	vld [tilespmem:s0+$0x1A0]  }
0x55: {  	v7 =	vld [tilespmem:s0+$0x180]  }
0x56: {  	s1 =	simm.s32 $0x200;
	v10 =	vand.u32 $0xFFFF0000, v8;
	v11 =	vshll.u32 v8, $0x10;
	v8 =	vld [tilespmem:s0+$0x1B0]  }
.LBB2_3:
0x57: {  	s10 =	sshra.s32 s1, $0x2;
	p0 =	sne.s32 s1, $0x17E00;
	s1 =	sadd.s32 $0x200, s1;
	v12 =	vld [tilespmem:s0+$0x61C0]  }
0x58: {  	v6 =	vadd.f32 v10, v6;
	v4 =	vadd.f32 v11, v4;
	v13 =	vld [tilespmem:s10+$0x61E0]  }
0x59: {  	v10 =	vld [tilespmem:s10+$0x61F0];
	v11 =	vand.u32 $0xFFFF0000, v9;
	v9 =	vshll.u32 v9, $0x10  }
0x5a: {  	v6 =	vpack.i.f32.bf16 v6, v4;
	v14 =	vld [tilespmem:s10+$0x6180];
	v11 =	vadd.f32 v11, v5  }
0x5b: {  	v5 =	vand.u32 $0xFFFF0000, v7;
	v7 =	vshll.u32 v7, $0x10;
	v4 =	vld [tilespmem:s10+$0x61D0];
	[tilespmem:s0+$0x190] =	vst v6;
	v15 =	vand.u32 $0xFFFF0000, v8  }
0x5c: {  	v9 =	vadd.f32 v9, v2;
	v8 =	vshll.u32 v8, $0x10;
	v6 =	vld [tilespmem:s10+$0x6190]  }
0x5d: {  	v17 =	vadd.f32 v5, v3;
	v7 =	vadd.f32 v7, v12;
	v16 =	vld [tilespmem:s10+$0x190];
	v2 =	vmov v13  }
.Ltmp0:
0x5e: {  	v9 =	vpack.i.f32.bf16 v11, v9;
	v11 =	vadd.f32 v15, v1;
	v8 =	vadd.f32 v8, v0;
	v5 =	vld [tilespmem:s10+$0x61A0];
	v0 =	vmovc v10;
	(pc) =	sbr.rel @p0 .LBB2_3-.Ltmp0, $4  }
0x5f: {  	v7 =	vpack.i.f32.bf16 v17, v7;
	v1 =	vld [tilespmem:s10+$0x61B0];
	[tilespmem:s0+$0x1A0] =	vst v9;
	v3 =	vmov v14  }
0x60: {  	v8 =	vpack.i.f32.bf16 v11, v8;
	v9 =	vld [tilespmem:s10+$0x1A0];
	[tilespmem:s0+$0x180] =	vst v7  }
0x61: {  	v7 =	vld [tilespmem:s10+$0x180];
	[tilespmem:s0+$0x1B0] =	vst v8;
	s0 =	smov.u32 s10  }
0x62: {  	v10 =	vand.u32 $0xFFFF0000, v16;
	v11 =	vshll.u32 v16, $0x10;
	v8 =	vld [tilespmem:s0+$0x1B0]  }
0x63: {  	v12 =	vld [tilespmem:s0+$0x61C0]  }
0x64: {  	v6 =	vadd.f32 v10, v6;
	v4 =	vadd.f32 v11, v4  }
0x65: {  	v10 =	vand.u32 $0xFFFF0000, v9;
	v9 =	vshll.u32 v9, $0x10  }
0x66: {  	v4 =	vpack.i.f32.bf16 v6, v4;
	v5 =	vadd.f32 v10, v5;
	v6 =	vand.u32 $0xFFFF0000, v7  }
0x67: {  	v7 =	vshll.u32 v7, $0x10;
	v2 =	vadd.f32 v9, v2;
	v10 =	vand.u32 $0xFFFF0000, v8  }
0x68: {  	v8 =	vshll.u32 v8, $0x10;
	v3 =	vadd.f32 v6, v3;
	v6 =	vadd.f32 v7, v12  }
0x69: {  	[tilespmem:s0+$0x190] =	vst v4;
	v2 =	vpack.i.f32.bf16 v5, v2;
	v1 =	vadd.f32 v10, v1;
	v0 =	vadd.f32 v8, v0  }
0x6a: {  	[tilespmem:s0+$0x1A0] =	vst v2;
	v3 =	vpack.i.f32.bf16 v3, v6  }
0x6b: {  	s1 =	sshll.u32 s31, $0x4;
	v0 =	vpack.i.f32.bf16 v1, v0;
	[tilespmem:s0+$0x180] =	vst v3  }
0x6c: {  	s10 =	simm.s32 $0x0;
	s1 =	sadd.s32 s8, s1;
	[tilespmem:s0+$0x1B0] =	vst v0  }
0x6d: {  	[hbm4b:s1+s10] =	stream.linear.scatter [tilespmem:s23], [sflag:$0x3], $0x6000, $0x38;
	[tilespmem:$0x18300] =	vst v63  }
0x6e: {  	_ =	swait.ge [sflag:s24], $0x3000  }
0x6f: {  	[sflag:s24] =	ssyncset.done $0x0  }
0x70: {  	[sflag:s24] =	ssyncadd.s32 $0xFFFFD000  }
0x71: {  	_ =	swait.ge [sflag:s24], $0x3000  }
0x72: {  	[sflag:s24] =	ssyncset.done $0x0  }
0x73: {  	[sflag:s24] =	ssyncadd.s32 $0xFFFFD000  }
0x74: {  	_ =	swait.ge [sflag:s24], $0x3000  }
0x75: {  	[sflag:s24] =	ssyncset.done $0x0  }
0x76: {  	[sflag:s24] =	ssyncadd.s32 $0xFFFFD000  }
0x77: {  	_ =	swait.ge [sflag:s24], $0x3000  }
0x78: {  	[sflag:s24] =	ssyncset.done $0x0  }
0x79: {  	s31 =	simm.s32 $0x0;
	[sflag:s24] =	ssyncadd.s32 $0xFFFFD000  }
0x7a: {  	v2 =	vld [tilespmem:s31+$0x12360]  }
0x7b: {  	v0 =	vld [tilespmem:s31+$0x12370]  }
0x7c: {  	v3 =	vld [tilespmem:s31+$0x12300]  }
0x7d: {  	v4 =	vld [tilespmem:s31+$0x12350]  }
0x7e: {  	v6 =	vld [tilespmem:s31+$0x12310]  }
0x7f: {  	v8 =	vld [tilespmem:s31+$0xC310]  }
0x80: {  	v5 =	vld [tilespmem:s31+$0x12320]  }
0x81: {  	v1 =	vld [tilespmem:s31+$0x12330]  }
0x82: {  	v9 =	vld [tilespmem:s31+$0xC320]  }
0x83: {  	v7 =	vld [tilespmem:s31+$0xC300]  }
0x84: {  	s0 =	simm.s32 $0x200;
	v10 =	vand.u32 $0xFFFF0000, v8;
	v11 =	vshll.u32 v8, $0x10;
	v8 =	vld [tilespmem:s31+$0xC330]  }
.LBB2_5:
0x85: {  	s1 =	sshra.s32 s0, $0x2;
	p0 =	sne.s32 s0, $0x17E00;
	s0 =	sadd.s32 $0x200, s0;
	v12 =	vld [tilespmem:s31+$0x12340]  }
0x86: {  	v6 =	vadd.f32 v10, v6;
	v4 =	vadd.f32 v11, v4;
	v13 =	vld [tilespmem:s1+$0x12360]  }
0x87: {  	v10 =	vld [tilespmem:s1+$0x12370];
	v11 =	vand.u32 $0xFFFF0000, v9;
	v9 =	vshll.u32 v9, $0x10  }
0x88: {  	v6 =	vpack.i.f32.bf16 v6, v4;
	v14 =	vld [tilespmem:s1+$0x12300];
	v11 =	vadd.f32 v11, v5  }
0x89: {  	v5 =	vand.u32 $0xFFFF0000, v7;
	v7 =	vshll.u32 v7, $0x10;
	v4 =	vld [tilespmem:s1+$0x12350];
	[tilespmem:s31+$0xC310] =	vst v6;
	v15 =	vand.u32 $0xFFFF0000, v8  }
0x8a: {  	v9 =	vadd.f32 v9, v2;
	v8 =	vshll.u32 v8, $0x10;
	v6 =	vld [tilespmem:s1+$0x12310]  }
0x8b: {  	v17 =	vadd.f32 v5, v3;
	v7 =	vadd.f32 v7, v12;
	v16 =	vld [tilespmem:s1+$0xC310];
	v2 =	vmov v13  }
.Ltmp1:
0x8c: {  	v9 =	vpack.i.f32.bf16 v11, v9;
	v11 =	vadd.f32 v15, v1;
	v8 =	vadd.f32 v8, v0;
	v5 =	vld [tilespmem:s1+$0x12320];
	v0 =	vmovc v10;
	(pc) =	sbr.rel @p0 .LBB2_5-.Ltmp1, $4  }
0x8d: {  	v7 =	vpack.i.f32.bf16 v17, v7;
	v1 =	vld [tilespmem:s1+$0x12330];
	[tilespmem:s31+$0xC320] =	vst v9;
	v3 =	vmov v14  }
0x8e: {  	v8 =	vpack.i.f32.bf16 v11, v8;
	v9 =	vld [tilespmem:s1+$0xC320];
	[tilespmem:s31+$0xC300] =	vst v7  }
0x8f: {  	v7 =	vld [tilespmem:s1+$0xC300];
	[tilespmem:s31+$0xC330] =	vst v8;
	s31 =	smov.u32 s1  }
0x90: {  	v10 =	vand.u32 $0xFFFF0000, v16;
	v11 =	vshll.u32 v16, $0x10;
	v8 =	vld [tilespmem:s31+$0xC330]  }
0x91: {  	v12 =	vld [tilespmem:s31+$0x12340]  }
0x92: {  	v6 =	vadd.f32 v10, v6;
	v4 =	vadd.f32 v11, v4  }
0x93: {  	v57 =	vand.u32 $0xFFFF0000, v9;
	v58 =	vshll.u32 v9, $0x10  }
0x94: {  	v4 =	vpack.i.f32.bf16 v6, v4;
	v5 =	vadd.f32 v57, v5;
	v59 =	vand.u32 $0xFFFF0000, v7  }
0x95: {  	s29 =	sadd.s32 $0x1, s29;
	v60 =	vshll.u32 v7, $0x10;
	v2 =	vadd.f32 v58, v2;
	v61 =	vand.u32 $0xFFFF0000, v8  }
0x96: {  	p0 =	sne.s32 s29, $0x83;
	v62 =	vshll.u32 v8, $0x10;
	v3 =	vadd.f32 v59, v3;
	v63 =	vadd.f32 v60, v12  }
.Ltmp2:
0x97: {  	[tilespmem:s31+$0xC310] =	vst v4;
	v2 =	vpack.i.f32.bf16 v5, v2;
	v1 =	vadd.f32 v61, v1;
	v0 =	vadd.f32 v62, v0;
	(pc) =	sbr.rel @p0 .LBB2_2-.Ltmp2, $4  }
0x98: {  	s0 =	sshll.u32 s30, $0x4;
	[tilespmem:s31+$0xC320] =	vst v2;
	v3 =	vpack.i.f32.bf16 v3, v63  }
0x99: {  	s0 =	sand.u32 $0x1FFFFC00, s0;
	v0 =	vpack.i.f32.bf16 v1, v0;
	[tilespmem:s31+$0xC300] =	vst v3  }
0x9a: {  	s0 =	sadd.s32 s8, s0;
	[tilespmem:s31+$0xC330] =	vst v0  }
0x9b: {  	[hbm4b:s0+s2] =	stream.linear.scatter [tilespmem:s16], [sflag:$0x4], $0x6000, $0x38;
	[tilespmem:$0x18300] =	vst v63  }
0x9c: {  	_ =	swait.ge [sflag:s25], $0x6000  }
0x9d: {  	[sflag:s25] =	ssyncset.done $0x0  }
0x9e: {  	[sflag:s25] =	ssyncadd.s32 $0xFFFFA000  }
0x9f: {  	_ =	swait.ge [sflag:s26], $0x6000  }
0xa0: {  	s28 =	sadd.s32 $0x1, s28;
	s0 =	rddreg [dreg:$0x2]  }
0xa1: {  	p0 =	sne.s32 s28, s0  }
.Ltmp3:
0xa2: {  	_ = 	snop;
	(pc) =	sbr.rel @p0 .LBB2_1-.Ltmp3, $3  }
0xa3: {  	_ =	sdelay $0x1  }
0xa4: {  	[sflag:s26] =	ssyncset.done $0x0  }
0xa5: {  	[sflag:s26] =	ssyncadd.s32 $0xFFFFA000  }
0xa6: {  	_ =	sfence.sel $0x180000  }
0xa7: {  	[bflag:$0x0] =	sbarrier.arrive $0xFFFF  }
0xa8: {  	_ =	strace $0x90000047  }
0xa9: {  	s0 =	stileid.u32;
	[bflag:$0x2] =	sbarrier.arrive $0xFFFF  }
0xaa: {  	p0 =	sne.s32 s0, $0x0;
	s0 =	rddreg [dreg:$0x1]  }
0xab: {  	s0 =	sadd.s32 @!p0 $0x100000, s0  }
0xac: {  	[sflag:s0] =	ssyncadd.tile.s32 @!p0 $0x1;
	_ =	shalt  }
.Lfunc_end2:
_tile_overlayer_lowered:
.L_overlay_start_2:
0xad: {  	(tag) =	ssettag $0x2  }
0xae: {  	s0 =	rddreg [dreg:$0x0];
	s2 =	stileid.u32  }
0xaf: {  	s1 =	rddreg [dreg:$0x1];
	p0 =	sne.s32 s2, $0x0  }
0xb0: {  	s3 =	rddreg [dreg:$0x2];
	[bflag:$0x3] =	sbarrier.arrive $0xFFFF;
	s2 =	simm.s32 @!p0 $0x1C05  }
0xb1: {  	[timem:s3], [sflag:s2] =	dma.local @!p0 [hbm:s0], s1  }
0xb2: {  	s0 =	simm.s32 @!p0 $0x5  }
0xb3: {  	_ =	swait.ge @!p0 [sflag:s0], s1  }
0xb4: {  	s1 =	ssub.s32 @!p0 $0x0, s1;
	[sflag:s0] =	ssyncset.done @!p0 $0x0  }
0xb5: {  	[sflag:s0] =	ssyncadd.s32 @!p0 s1  }
0xb6: {  	[bflag:$0x3] =	sbarrier.arrive $0xFFFF  }
0xb7: {  	_ =	shalt  }

</sc_bundles>
